<compile_context>
chip_gen: v7x
topology: tpu7x:2x2x1
jax: 0.10.2.dev20260603
libtpu: 0.0.44.dev20260713+nightly
codegen_flags: <defaults>
</compile_context>

<pallas_src>
import functools

import jax
import jax.numpy as jnp
from jax import lax
from jax.experimental import pallas as pl
from jax.experimental.pallas import tpu as pltpu
from jax.experimental.pallas import tpu_sc as plsc

NUM_EMBEDDINGS = 1000000
EMBEDDING_DIM = 64
BATCH = 16384
HIST = 50

NC, NS = 2, 16
NW = NC * NS
D = EMBEDDING_DIM
BLK = 512
NT = BATCH * HIST // NW // BLK
GPB = BLK // 128

_mesh = plsc.VectorSubcoreMesh(core_axis_name="c", subcore_axis_name="s",
                               num_cores=NC, num_subcores=NS)


@functools.partial(
    pl.kernel,
    out_type=jax.ShapeDtypeStruct((NW, NT, GPB, 128, D), jnp.float32),
    mesh=_mesh,
    compiler_params=pltpu.CompilerParams(use_tc_tiling_on_sc=False),
    scratch_types=[
        pltpu.VMEM((NT, BLK), jnp.int32),
        pltpu.VMEM((2, GPB, 128), jnp.int32),
        pltpu.VMEM((2, GPB, 128, D), jnp.float32),
        pltpu.SemaphoreType.DMA,
        pltpu.SemaphoreType.DMA,
        pltpu.SemaphoreType.DMA,
        pltpu.SemaphoreType.DMA,
    ],
)
def _embed_sc(idx_hbm, w_hbm, out_hbm, idx_s, bidx_v, rows_v, g0, g1, o0, o1):
    wid = lax.axis_index("s") * NC + lax.axis_index("c")
    gsems = (g0, g1)
    osems = (o0, o1)

    def prep_block(t, s):
        for j in range(GPB):
            for q in range(8):
                bidx_v[s, j, pl.ds(16 * q, 16)] = (
                    idx_s[t, pl.ds(j * 128 + 16 * q, 16)])

    def fire_gather(s):
        for j in range(GPB):
            pltpu.async_copy(w_hbm.at[bidx_v.at[s, j]], rows_v.at[s, j],
                             gsems[s])

    def drain_gather(s):
        for j in range(GPB):
            pltpu.make_async_copy(w_hbm.at[pl.ds(0, 128)], rows_v.at[s, j],
                                  gsems[s]).wait()

    def fire_out(t, s):
        pltpu.async_copy(rows_v.at[s], out_hbm.at[wid, t], osems[s])

    def drain_out(s):
        pltpu.make_async_copy(rows_v.at[s], out_hbm.at[0, 0], osems[s]).wait()

    pltpu.sync_copy(idx_hbm.at[wid], idx_s)
    prep_block(0, 0)
    fire_gather(0)

    def body(g, carry):
        for u in range(2):
            t = 2 * g + u
            s = u
            @pl.when(t + 1 < NT)
            def _():
                @pl.when(t >= 1)
                def _():
                    drain_out(1 - s)
                prep_block(t + 1, 1 - s)
                fire_gather(1 - s)
            drain_gather(s)
            fire_out(t, s)
        return carry

    lax.fori_loop(0, NT // 2, body, 0)
    drain_out(0)
    drain_out(1)


def kernel(input_, weight):
    idx3 = input_.reshape(NW, NT, BLK)
    out5 = _embed_sc(idx3, weight)
    return out5.reshape(BATCH, HIST, D)

# --- scband reference (transcript-rebuilt; emitter-appended) ---
"""Pipeline reference for scband-parallel-vocab-parallel-embedding-42528766165492 (READ-ONLY COPY).

The authoritative reference and input builder live on the scoring server;
editing this copy changes nothing except your own understanding.
"""

import jax, jax.numpy as jnp
import numpy as np

NUM_EMBEDDINGS = 1000000
EMBEDDING_DIM = 64
BATCH = 16384
HIST = 50

def setup_inputs(seed: int = 0) -> dict:
    key = jax.random.key(seed)
    k_idx, k_w = jax.random.split(key)
    input_ = jax.random.randint(k_idx, (BATCH, HIST), 0, NUM_EMBEDDINGS, dtype=jnp.int32)
    weight = jax.random.normal(k_w, (NUM_EMBEDDINGS, EMBEDDING_DIM), dtype=jnp.float32) * 0.02
    return {"input_": input_, "weight": weight}

def reference(input_, weight):
    # tp_size == 1 in single-process setting -> plain embedding lookup
    # F.embedding(input_, weight, padding_idx=None) == gather rows of weight
    return jnp.take(weight, input_, axis=0)

if __name__ == "__main__":
    import jax
    _d = setup_inputs()
    print(jax.jit(kernel)(*tuple(_d.values())))

</pallas_src>

<mosaic_0001>
#map = affine_map<(d0, d1) -> (0, 0, 0)>
#map1 = affine_map<(d0, d1) -> (0, 0)>
#map2 = affine_map<(d0, d1) -> (0, 0, 0, 0, 0)>
module attributes {stable_mosaic.version = 14 : i64} {
  func.func @_embed_sc(%arg0: i32, %arg1: i32, %arg2: memref<32x50x512xi32, #tpu.memory_space<hbm>>, %arg3: memref<1000000x64xf32, #tpu.memory_space<hbm>>, %arg4: memref<32x50x4x128x64xf32, #tpu.memory_space<hbm>>, %arg5: memref<50x512xi32, #tpu.memory_space<vmem>>, %arg6: memref<2x4x128xi32, #tpu.memory_space<vmem>>, %arg7: memref<2x4x128x64xf32, #tpu.memory_space<vmem>>, %arg8: memref<!tpu.dma_semaphore, #tpu.memory_space<semaphore_mem>>, %arg9: memref<!tpu.dma_semaphore, #tpu.memory_space<semaphore_mem>>, %arg10: memref<!tpu.dma_semaphore, #tpu.memory_space<semaphore_mem>>, %arg11: memref<!tpu.dma_semaphore, #tpu.memory_space<semaphore_mem>>) attributes {dimension_semantics = [#tpu.dimension_semantics<core_parallel>, #tpu.dimension_semantics<subcore_parallel>], iteration_bounds = array<i64: 2, 16>, scalar_prefetch = 0 : i64, scratch_operands = 7 : i64, tpu.core_type = #tpu.core_type<sc_vector_subcore>, window_params = [{transform_indices = #map}, {transform_indices = #map1}, {transform_indices = #map2}]} {
    %mul3A = arith.constant 2 : i32
    %mul3A_0 = arith.muli %arg1, %mul3A : i32
    %add3A = arith.addi %mul3A_0, %arg0 : i32
    "tpu.region"() ({
      %run_scoped3A = tpu.sem_alloc : memref<!tpu.dma_semaphore, #tpu.memory_space<semaphore_mem>>
      %dma_start3A_520 = arith.constant 0 : i32
      %dma_start3A_521 = arith.constant 0 : i32
      %dma_start3A_522 = tpu.memref_slice %arg2[%add3A, %dma_start3A_520, %dma_start3A_521] : memref<32x50x512xi32, #tpu.memory_space<hbm>> -> memref<1x50x512xi32, #tpu.memory_space<hbm>>
      %dma_start3A_523 = tpu.memref_squeeze %dma_start3A_522 : memref<1x50x512xi32, #tpu.memory_space<hbm>> -> memref<50x512xi32, #tpu.memory_space<hbm>>
      %dma_start3A_524 = arith.constant 0 : i32
      %dma_start3A_525 = arith.constant 0 : i32
      %dma_start3A_526 = tpu.memref_slice %arg2[%add3A, %dma_start3A_524, %dma_start3A_525] : memref<32x50x512xi32, #tpu.memory_space<hbm>> -> memref<1x50x512xi32, #tpu.memory_space<hbm>>
      %dma_start3A_527 = tpu.memref_squeeze %dma_start3A_526 : memref<1x50x512xi32, #tpu.memory_space<hbm>> -> memref<50x512xi32, #tpu.memory_space<hbm>>
      tpu.enqueue_dma source(%dma_start3A_527 : memref<50x512xi32, #tpu.memory_space<hbm>>) target(%arg5 : memref<50x512xi32, #tpu.memory_space<vmem>>) target_semaphore(%run_scoped3A : memref<!tpu.dma_semaphore, #tpu.memory_space<semaphore_mem>>)
      %dma_wait3A_528 = arith.constant 0 : i32
      %dma_wait3A_529 = arith.constant 0 : i32
      %dma_wait3A_530 = tpu.memref_slice %arg2[%add3A, %dma_wait3A_528, %dma_wait3A_529] : memref<32x50x512xi32, #tpu.memory_space<hbm>> -> memref<1x50x512xi32, #tpu.memory_space<hbm>>
      %dma_wait3A_531 = tpu.memref_squeeze %dma_wait3A_530 : memref<1x50x512xi32, #tpu.memory_space<hbm>> -> memref<50x512xi32, #tpu.memory_space<hbm>>
      %dma_wait3A_532 = arith.constant 0 : i32
      %dma_wait3A_533 = arith.constant 0 : i32
      %dma_wait3A_534 = tpu.memref_slice %arg2[%add3A, %dma_wait3A_532, %dma_wait3A_533] : memref<32x50x512xi32, #tpu.memory_space<hbm>> -> memref<1x50x512xi32, #tpu.memory_space<hbm>>
      %dma_wait3A_535 = tpu.memref_squeeze %dma_wait3A_534 : memref<1x50x512xi32, #tpu.memory_space<hbm>> -> memref<50x512xi32, #tpu.memory_space<hbm>>
      tpu.wait_dma2 semaphore(%run_scoped3A : memref<!tpu.dma_semaphore, #tpu.memory_space<semaphore_mem>>) src(%dma_wait3A_535 : memref<50x512xi32, #tpu.memory_space<hbm>>) dst(%arg5 : memref<50x512xi32, #tpu.memory_space<vmem>>)
      tpu.yield
    }) : () -> ()
    %get3A = arith.constant 0 : i32
    %get3A_1 = arith.index_cast %get3A : i32 to index
    %get3A_2 = arith.constant 0 : index
    %get3A_3 = tpu.vector_load %arg5[%get3A_1, %get3A_2] {strides = array<i32>} : memref<50x512xi32, #tpu.memory_space<vmem>>, vector<1x16xi32>,
    %get3A_4 = vector.shape_cast %get3A_3 : vector<1x16xi32> to vector<16xi32>
    %swap3A = arith.constant 0 : i32
    %swap3A_5 = arith.constant 0 : i32
    %swap3A_6 = arith.index_cast %swap3A : i32 to index
    %swap3A_7 = arith.index_cast %swap3A_5 : i32 to index
    %swap3A_8 = arith.constant 0 : index
    %swap3A_9 = tpu.vector_load %arg6[%swap3A_6, %swap3A_7, %swap3A_8] {strides = array<i32>} : memref<2x4x128xi32, #tpu.memory_space<vmem>>, vector<1x1x16xi32>,
    %swap3A_10 = vector.shape_cast %swap3A_9 : vector<1x1x16xi32> to vector<16xi32>
    %swap3A_11 = vector.shape_cast %get3A_4 : vector<16xi32> to vector<1x1x16xi32>
    tpu.vector_store %arg6[%swap3A_6, %swap3A_7, %swap3A_8], %swap3A_11 {strides = array<i32>} : memref<2x4x128xi32, #tpu.memory_space<vmem>>, vector<1x1x16xi32>,
    %get3A_12 = arith.constant 0 : i32
    %get3A_13 = arith.index_cast %get3A_12 : i32 to index
    %get3A_14 = arith.constant 16 : index
    %get3A_15 = tpu.vector_load %arg5[%get3A_13, %get3A_14] {strides = array<i32>} : memref<50x512xi32, #tpu.memory_space<vmem>>, vector<1x16xi32>,
    %get3A_16 = vector.shape_cast %get3A_15 : vector<1x16xi32> to vector<16xi32>
    %swap3A_17 = arith.constant 0 : i32
    %swap3A_18 = arith.constant 0 : i32
    %swap3A_19 = arith.index_cast %swap3A_17 : i32 to index
    %swap3A_20 = arith.index_cast %swap3A_18 : i32 to index
    %swap3A_21 = arith.constant 16 : index
    %swap3A_22 = tpu.vector_load %arg6[%swap3A_19, %swap3A_20, %swap3A_21] {strides = array<i32>} : memref<2x4x128xi32, #tpu.memory_space<vmem>>, vector<1x1x16xi32>,
    %swap3A_23 = vector.shape_cast %swap3A_22 : vector<1x1x16xi32> to vector<16xi32>
    %swap3A_24 = vector.shape_cast %get3A_16 : vector<16xi32> to vector<1x1x16xi32>
    tpu.vector_store %arg6[%swap3A_19, %swap3A_20, %swap3A_21], %swap3A_24 {strides = array<i32>} : memref<2x4x128xi32, #tpu.memory_space<vmem>>, vector<1x1x16xi32>,
    %get3A_25 = arith.constant 0 : i32
    %get3A_26 = arith.index_cast %get3A_25 : i32 to index
    %get3A_27 = arith.constant 32 : index
    %get3A_28 = tpu.vector_load %arg5[%get3A_26, %get3A_27] {strides = array<i32>} : memref<50x512xi32, #tpu.memory_space<vmem>>, vector<1x16xi32>,
    %get3A_29 = vector.shape_cast %get3A_28 : vector<1x16xi32> to vector<16xi32>
    %swap3A_30 = arith.constant 0 : i32
    %swap3A_31 = arith.constant 0 : i32
    %swap3A_32 = arith.index_cast %swap3A_30 : i32 to index
    %swap3A_33 = arith.index_cast %swap3A_31 : i32 to index
    %swap3A_34 = arith.constant 32 : index
    %swap3A_35 = tpu.vector_load %arg6[%swap3A_32, %swap3A_33, %swap3A_34] {strides = array<i32>} : memref<2x4x128xi32, #tpu.memory_space<vmem>>, vector<1x1x16xi32>,
    %swap3A_36 = vector.shape_cast %swap3A_35 : vector<1x1x16xi32> to vector<16xi32>
    %swap3A_37 = vector.shape_cast %get3A_29 : vector<16xi32> to vector<1x1x16xi32>
    tpu.vector_store %arg6[%swap3A_32, %swap3A_33, %swap3A_34], %swap3A_37 {strides = array<i32>} : memref<2x4x128xi32, #tpu.memory_space<vmem>>, vector<1x1x16xi32>,
    %get3A_38 = arith.constant 0 : i32
    %get3A_39 = arith.index_cast %get3A_38 : i32 to index
    %get3A_40 = arith.constant 48 : index
    %get3A_41 = tpu.vector_load %arg5[%get3A_39, %get3A_40] {strides = array<i32>} : memref<50x512xi32, #tpu.memory_space<vmem>>, vector<1x16xi32>,
    %get3A_42 = vector.shape_cast %get3A_41 : vector<1x16xi32> to vector<16xi32>
    %swap3A_43 = arith.constant 0 : i32
    %swap3A_44 = arith.constant 0 : i32
    %swap3A_45 = arith.index_cast %swap3A_43 : i32 to index
    %swap3A_46 = arith.index_cast %swap3A_44 : i32 to index
    %swap3A_47 = arith.constant 48 : index
    %swap3A_48 = tpu.vector_load %arg6[%swap3A_45, %swap3A_46, %swap3A_47] {strides = array<i32>} : memref<2x4x128xi32, #tpu.memory_space<vmem>>, vector<1x1x16xi32>,
    %swap3A_49 = vector.shape_cast %swap3A_48 : vector<1x1x16xi32> to vector<16xi32>
    %swap3A_50 = vector.shape_cast %get3A_42 : vector<16xi32> to vector<1x1x16xi32>
    tpu.vector_store %arg6[%swap3A_45, %swap3A_46, %swap3A_47], %swap3A_50 {strides = array<i32>} : memref<2x4x128xi32, #tpu.memory_space<vmem>>, vector<1x1x16xi32>,
    %get3A_51 = arith.constant 0 : i32
    %get3A_52 = arith.index_cast %get3A_51 : i32 to index
    %get3A_53 = arith.constant 64 : index
    %get3A_54 = tpu.vector_load %arg5[%get3A_52, %get3A_53] {strides = array<i32>} : memref<50x512xi32, #tpu.memory_space<vmem>>, vector<1x16xi32>,
    %get3A_55 = vector.shape_cast %get3A_54 : vector<1x16xi32> to vector<16xi32>
    %swap3A_56 = arith.constant 0 : i32
    %swap3A_57 = arith.constant 0 : i32
    %swap3A_58 = arith.index_cast %swap3A_56 : i32 to index
    %swap3A_59 = arith.index_cast %swap3A_57 : i32 to index
    %swap3A_60 = arith.constant 64 : index
    %swap3A_61 = tpu.vector_load %arg6[%swap3A_58, %swap3A_59, %swap3A_60] {strides = array<i32>} : memref<2x4x128xi32, #tpu.memory_space<vmem>>, vector<1x1x16xi32>,
    %swap3A_62 = vector.shape_cast %swap3A_61 : vector<1x1x16xi32> to vector<16xi32>
    %swap3A_63 = vector.shape_cast %get3A_55 : vector<16xi32> to vector<1x1x16xi32>
    tpu.vector_store %arg6[%swap3A_58, %swap3A_59, %swap3A_60], %swap3A_63 {strides = array<i32>} : memref<2x4x128xi32, #tpu.memory_space<vmem>>, vector<1x1x16xi32>,
    %get3A_64 = arith.constant 0 : i32
    %get3A_65 = arith.index_cast %get3A_64 : i32 to index
    %get3A_66 = arith.constant 80 : index
    %get3A_67 = tpu.vector_load %arg5[%get3A_65, %get3A_66] {strides = array<i32>} : memref<50x512xi32, #tpu.memory_space<vmem>>, vector<1x16xi32>,
    %get3A_68 = vector.shape_cast %get3A_67 : vector<1x16xi32> to vector<16xi32>
    %swap3A_69 = arith.constant 0 : i32
    %swap3A_70 = arith.constant 0 : i32
    %swap3A_71 = arith.index_cast %swap3A_69 : i32 to index
    %swap3A_72 = arith.index_cast %swap3A_70 : i32 to index
    %swap3A_73 = arith.constant 80 : index
    %swap3A_74 = tpu.vector_load %arg6[%swap3A_71, %swap3A_72, %swap3A_73] {strides = array<i32>} : memref<2x4x128xi32, #tpu.memory_space<vmem>>, vector<1x1x16xi32>,
    %swap3A_75 = vector.shape_cast %swap3A_74 : vector<1x1x16xi32> to vector<16xi32>
    %swap3A_76 = vector.shape_cast %get3A_68 : vector<16xi32> to vector<1x1x16xi32>
    tpu.vector_store %arg6[%swap3A_71, %swap3A_72, %swap3A_73], %swap3A_76 {strides = array<i32>} : memref<2x4x128xi32, #tpu.memory_space<vmem>>, vector<1x1x16xi32>,
    %get3A_77 = arith.constant 0 : i32
    %get3A_78 = arith.index_cast %get3A_77 : i32 to index
    %get3A_79 = arith.constant 96 : index
    %get3A_80 = tpu.vector_load %arg5[%get3A_78, %get3A_79] {strides = array<i32>} : memref<50x512xi32, #tpu.memory_space<vmem>>, vector<1x16xi32>,
    %get3A_81 = vector.shape_cast %get3A_80 : vector<1x16xi32> to vector<16xi32>
    %swap3A_82 = arith.constant 0 : i32
    %swap3A_83 = arith.constant 0 : i32
    %swap3A_84 = arith.index_cast %swap3A_82 : i32 to index
    %swap3A_85 = arith.index_cast %swap3A_83 : i32 to index
    %swap3A_86 = arith.constant 96 : index
    %swap3A_87 = tpu.vector_load %arg6[%swap3A_84, %swap3A_85, %swap3A_86] {strides = array<i32>} : memref<2x4x128xi32, #tpu.memory_space<vmem>>, vector<1x1x16xi32>,
    %swap3A_88 = vector.shape_cast %swap3A_87 : vector<1x1x16xi32> to vector<16xi32>
    %swap3A_89 = vector.shape_cast %get3A_81 : vector<16xi32> to vector<1x1x16xi32>
    tpu.vector_store %arg6[%swap3A_84, %swap3A_85, %swap3A_86], %swap3A_89 {strides = array<i32>} : memref<2x4x128xi32, #tpu.memory_space<vmem>>, vector<1x1x16xi32>,
    %get3A_90 = arith.constant 0 : i32
    %get3A_91 = arith.index_cast %get3A_90 : i32 to index
    %get3A_92 = arith.constant 112 : index
    %get3A_93 = tpu.vector_load %arg5[%get3A_91, %get3A_92] {strides = array<i32>} : memref<50x512xi32, #tpu.memory_space<vmem>>, vector<1x16xi32>,
    %get3A_94 = vector.shape_cast %get3A_93 : vector<1x16xi32> to vector<16xi32>
    %swap3A_95 = arith.constant 0 : i32
    %swap3A_96 = arith.constant 0 : i32
    %swap3A_97 = arith.index_cast %swap3A_95 : i32 to index
    %swap3A_98 = arith.index_cast %swap3A_96 : i32 to index
    %swap3A_99 = arith.constant 112 : index
    %swap3A_100 = tpu.vector_load %arg6[%swap3A_97, %swap3A_98, %swap3A_99] {strides = array<i32>} : memref<2x4x128xi32, #tpu.memory_space<vmem>>, vector<1x1x16xi32>,
    %swap3A_101 = vector.shape_cast %swap3A_100 : vector<1x1x16xi32> to vector<16xi32>
    %swap3A_102 = vector.shape_cast %get3A_94 : vector<16xi32> to vector<1x1x16xi32>
    tpu.vector_store %arg6[%swap3A_97, %swap3A_98, %swap3A_99], %swap3A_102 {strides = array<i32>} : memref<2x4x128xi32, #tpu.memory_space<vmem>>, vector<1x1x16xi32>,
    %get3A_103 = arith.constant 0 : i32
    %get3A_104 = arith.index_cast %get3A_103 : i32 to index
    %get3A_105 = arith.constant 128 : index
    %get3A_106 = tpu.vector_load %arg5[%get3A_104, %get3A_105] {strides = array<i32>} : memref<50x512xi32, #tpu.memory_space<vmem>>, vector<1x16xi32>,
    %get3A_107 = vector.shape_cast %get3A_106 : vector<1x16xi32> to vector<16xi32>
    %swap3A_108 = arith.constant 0 : i32
    %swap3A_109 = arith.constant 1 : i32
    %swap3A_110 = arith.index_cast %swap3A_108 : i32 to index
    %swap3A_111 = arith.index_cast %swap3A_109 : i32 to index
    %swap3A_112 = arith.constant 0 : index
    %swap3A_113 = tpu.vector_load %arg6[%swap3A_110, %swap3A_111, %swap3A_112] {strides = array<i32>} : memref<2x4x128xi32, #tpu.memory_space<vmem>>, vector<1x1x16xi32>,
    %swap3A_114 = vector.shape_cast %swap3A_113 : vector<1x1x16xi32> to vector<16xi32>
    %swap3A_115 = vector.shape_cast %get3A_107 : vector<16xi32> to vector<1x1x16xi32>
    tpu.vector_store %arg6[%swap3A_110, %swap3A_111, %swap3A_112], %swap3A_115 {strides = array<i32>} : memref<2x4x128xi32, #tpu.memory_space<vmem>>, vector<1x1x16xi32>,
    %get3A_116 = arith.constant 0 : i32
    %get3A_117 = arith.index_cast %get3A_116 : i32 to index
    %get3A_118 = arith.constant 144 : index
    %get3A_119 = tpu.vector_load %arg5[%get3A_117, %get3A_118] {strides = array<i32>} : memref<50x512xi32, #tpu.memory_space<vmem>>, vector<1x16xi32>,
    %get3A_120 = vector.shape_cast %get3A_119 : vector<1x16xi32> to vector<16xi32>
    %swap3A_121 = arith.constant 0 : i32
    %swap3A_122 = arith.constant 1 : i32
    %swap3A_123 = arith.index_cast %swap3A_121 : i32 to index
    %swap3A_124 = arith.index_cast %swap3A_122 : i32 to index
    %swap3A_125 = arith.constant 16 : index
    %swap3A_126 = tpu.vector_load %arg6[%swap3A_123, %swap3A_124, %swap3A_125] {strides = array<i32>} : memref<2x4x128xi32, #tpu.memory_space<vmem>>, vector<1x1x16xi32>,
    %swap3A_127 = vector.shape_cast %swap3A_126 : vector<1x1x16xi32> to vector<16xi32>
    %swap3A_128 = vector.shape_cast %get3A_120 : vector<16xi32> to vector<1x1x16xi32>
    tpu.vector_store %arg6[%swap3A_123, %swap3A_124, %swap3A_125], %swap3A_128 {strides = array<i32>} : memref<2x4x128xi32, #tpu.memory_space<vmem>>, vector<1x1x16xi32>,
    %get3A_129 = arith.constant 0 : i32
    %get3A_130 = arith.index_cast %get3A_129 : i32 to index
    %get3A_131 = arith.constant 160 : index
    %get3A_132 = tpu.vector_load %arg5[%get3A_130, %get3A_131] {strides = array<i32>} : memref<50x512xi32, #tpu.memory_space<vmem>>, vector<1x16xi32>,
    %get3A_133 = vector.shape_cast %get3A_132 : vector<1x16xi32> to vector<16xi32>
    %swap3A_134 = arith.constant 0 : i32
    %swap3A_135 = arith.constant 1 : i32
    %swap3A_136 = arith.index_cast %swap3A_134 : i32 to index
    %swap3A_137 = arith.index_cast %swap3A_135 : i32 to index
    %swap3A_138 = arith.constant 32 : index
    %swap3A_139 = tpu.vector_load %arg6[%swap3A_136, %swap3A_137, %swap3A_138] {strides = array<i32>} : memref<2x4x128xi32, #tpu.memory_space<vmem>>, vector<1x1x16xi32>,
    %swap3A_140 = vector.shape_cast %swap3A_139 : vector<1x1x16xi32> to vector<16xi32>
    %swap3A_141 = vector.shape_cast %get3A_133 : vector<16xi32> to vector<1x1x16xi32>
    tpu.vector_store %arg6[%swap3A_136, %swap3A_137, %swap3A_138], %swap3A_141 {strides = array<i32>} : memref<2x4x128xi32, #tpu.memory_space<vmem>>, vector<1x1x16xi32>,
    %get3A_142 = arith.constant 0 : i32
    %get3A_143 = arith.index_cast %get3A_142 : i32 to index
    %get3A_144 = arith.constant 176 : index
    %get3A_145 = tpu.vector_load %arg5[%get3A_143, %get3A_144] {strides = array<i32>} : memref<50x512xi32, #tpu.memory_space<vmem>>, vector<1x16xi32>,
    %get3A_146 = vector.shape_cast %get3A_145 : vector<1x16xi32> to vector<16xi32>
    %swap3A_147 = arith.constant 0 : i32
    %swap3A_148 = arith.constant 1 : i32
    %swap3A_149 = arith.index_cast %swap3A_147 : i32 to index
    %swap3A_150 = arith.index_cast %swap3A_148 : i32 to index
    %swap3A_151 = arith.constant 48 : index
    %swap3A_152 = tpu.vector_load %arg6[%swap3A_149, %swap3A_150, %swap3A_151] {strides = array<i32>} : memref<2x4x128xi32, #tpu.memory_space<vmem>>, vector<1x1x16xi32>,
    %swap3A_153 = vector.shape_cast %swap3A_152 : vector<1x1x16xi32> to vector<16xi32>
    %swap3A_154 = vector.shape_cast %get3A_146 : vector<16xi32> to vector<1x1x16xi32>
    tpu.vector_store %arg6[%swap3A_149, %swap3A_150, %swap3A_151], %swap3A_154 {strides = array<i32>} : memref<2x4x128xi32, #tpu.memory_space<vmem>>, vector<1x1x16xi32>,
    %get3A_155 = arith.constant 0 : i32
    %get3A_156 = arith.index_cast %get3A_155 : i32 to index
    %get3A_157 = arith.constant 192 : index
    %get3A_158 = tpu.vector_load %arg5[%get3A_156, %get3A_157] {strides = array<i32>} : memref<50x512xi32, #tpu.memory_space<vmem>>, vector<1x16xi32>,
    %get3A_159 = vector.shape_cast %get3A_158 : vector<1x16xi32> to vector<16xi32>
    %swap3A_160 = arith.constant 0 : i32
    %swap3A_161 = arith.constant 1 : i32
    %swap3A_162 = arith.index_cast %swap3A_160 : i32 to index
    %swap3A_163 = arith.index_cast %swap3A_161 : i32 to index
    %swap3A_164 = arith.constant 64 : index
    %swap3A_165 = tpu.vector_load %arg6[%swap3A_162, %swap3A_163, %swap3A_164] {strides = array<i32>} : memref<2x4x128xi32, #tpu.memory_space<vmem>>, vector<1x1x16xi32>,
    %swap3A_166 = vector.shape_cast %swap3A_165 : vector<1x1x16xi32> to vector<16xi32>
    %swap3A_167 = vector.shape_cast %get3A_159 : vector<16xi32> to vector<1x1x16xi32>
    tpu.vector_store %arg6[%swap3A_162, %swap3A_163, %swap3A_164], %swap3A_167 {strides = array<i32>} : memref<2x4x128xi32, #tpu.memory_space<vmem>>, vector<1x1x16xi32>,
    %get3A_168 = arith.constant 0 : i32
    %get3A_169 = arith.index_cast %get3A_168 : i32 to index
    %get3A_170 = arith.constant 208 : index
    %get3A_171 = tpu.vector_load %arg5[%get3A_169, %get3A_170] {strides = array<i32>} : memref<50x512xi32, #tpu.memory_space<vmem>>, vector<1x16xi32>,
    %get3A_172 = vector.shape_cast %get3A_171 : vector<1x16xi32> to vector<16xi32>
    %swap3A_173 = arith.constant 0 : i32
    %swap3A_174 = arith.constant 1 : i32
    %swap3A_175 = arith.index_cast %swap3A_173 : i32 to index
    %swap3A_176 = arith.index_cast %swap3A_174 : i32 to index
    %swap3A_177 = arith.constant 80 : index
    %swap3A_178 = tpu.vector_load %arg6[%swap3A_175, %swap3A_176, %swap3A_177] {strides = array<i32>} : memref<2x4x128xi32, #tpu.memory_space<vmem>>, vector<1x1x16xi32>,
    %swap3A_179 = vector.shape_cast %swap3A_178 : vector<1x1x16xi32> to vector<16xi32>
    %swap3A_180 = vector.shape_cast %get3A_172 : vector<16xi32> to vector<1x1x16xi32>
    tpu.vector_store %arg6[%swap3A_175, %swap3A_176, %swap3A_177], %swap3A_180 {strides = array<i32>} : memref<2x4x128xi32, #tpu.memory_space<vmem>>, vector<1x1x16xi32>,
    %get3A_181 = arith.constant 0 : i32
    %get3A_182 = arith.index_cast %get3A_181 : i32 to index
    %get3A_183 = arith.constant 224 : index
    %get3A_184 = tpu.vector_load %arg5[%get3A_182, %get3A_183] {strides = array<i32>} : memref<50x512xi32, #tpu.memory_space<vmem>>, vector<1x16xi32>,
    %get3A_185 = vector.shape_cast %get3A_184 : vector<1x16xi32> to vector<16xi32>
    %swap3A_186 = arith.constant 0 : i32
    %swap3A_187 = arith.constant 1 : i32
    %swap3A_188 = arith.index_cast %swap3A_186 : i32 to index
    %swap3A_189 = arith.index_cast %swap3A_187 : i32 to index
    %swap3A_190 = arith.constant 96 : index
    %swap3A_191 = tpu.vector_load %arg6[%swap3A_188, %swap3A_189, %swap3A_190] {strides = array<i32>} : memref<2x4x128xi32, #tpu.memory_space<vmem>>, vector<1x1x16xi32>,
    %swap3A_192 = vector.shape_cast %swap3A_191 : vector<1x1x16xi32> to vector<16xi32>
    %swap3A_193 = vector.shape_cast %get3A_185 : vector<16xi32> to vector<1x1x16xi32>
    tpu.vector_store %arg6[%swap3A_188, %swap3A_189, %swap3A_190], %swap3A_193 {strides = array<i32>} : memref<2x4x128xi32, #tpu.memory_space<vmem>>, vector<1x1x16xi32>,
    %get3A_194 = arith.constant 0 : i32
    %get3A_195 = arith.index_cast %get3A_194 : i32 to index
    %get3A_196 = arith.constant 240 : index
    %get3A_197 = tpu.vector_load %arg5[%get3A_195, %get3A_196] {strides = array<i32>} : memref<50x512xi32, #tpu.memory_space<vmem>>, vector<1x16xi32>,
    %get3A_198 = vector.shape_cast %get3A_197 : vector<1x16xi32> to vector<16xi32>
    %swap3A_199 = arith.constant 0 : i32
    %swap3A_200 = arith.constant 1 : i32
    %swap3A_201 = arith.index_cast %swap3A_199 : i32 to index
    %swap3A_202 = arith.index_cast %swap3A_200 : i32 to index
    %swap3A_203 = arith.constant 112 : index
    %swap3A_204 = tpu.vector_load %arg6[%swap3A_201, %swap3A_202, %swap3A_203] {strides = array<i32>} : memref<2x4x128xi32, #tpu.memory_space<vmem>>, vector<1x1x16xi32>,
    %swap3A_205 = vector.shape_cast %swap3A_204 : vector<1x1x16xi32> to vector<16xi32>
    %swap3A_206 = vector.shape_cast %get3A_198 : vector<16xi32> to vector<1x1x16xi32>
    tpu.vector_store %arg6[%swap3A_201, %swap3A_202, %swap3A_203], %swap3A_206 {strides = array<i32>} : memref<2x4x128xi32, #tpu.memory_space<vmem>>, vector<1x1x16xi32>,
    %get3A_207 = arith.constant 0 : i32
    %get3A_208 = arith.index_cast %get3A_207 : i32 to index
    %get3A_209 = arith.constant 256 : index
    %get3A_210 = tpu.vector_load %arg5[%get3A_208, %get3A_209] {strides = array<i32>} : memref<50x512xi32, #tpu.memory_space<vmem>>, vector<1x16xi32>,
    %get3A_211 = vector.shape_cast %get3A_210 : vector<1x16xi32> to vector<16xi32>
    %swap3A_212 = arith.constant 0 : i32
    %swap3A_213 = arith.constant 2 : i32
    %swap3A_214 = arith.index_cast %swap3A_212 : i32 to index
    %swap3A_215 = arith.index_cast %swap3A_213 : i32 to index
    %swap3A_216 = arith.constant 0 : index
    %swap3A_217 = tpu.vector_load %arg6[%swap3A_214, %swap3A_215, %swap3A_216] {strides = array<i32>} : memref<2x4x128xi32, #tpu.memory_space<vmem>>, vector<1x1x16xi32>,
    %swap3A_218 = vector.shape_cast %swap3A_217 : vector<1x1x16xi32> to vector<16xi32>
    %swap3A_219 = vector.shape_cast %get3A_211 : vector<16xi32> to vector<1x1x16xi32>
    tpu.vector_store %arg6[%swap3A_214, %swap3A_215, %swap3A_216], %swap3A_219 {strides = array<i32>} : memref<2x4x128xi32, #tpu.memory_space<vmem>>, vector<1x1x16xi32>,
    %get3A_220 = arith.constant 0 : i32
    %get3A_221 = arith.index_cast %get3A_220 : i32 to index
    %get3A_222 = arith.constant 272 : index
    %get3A_223 = tpu.vector_load %arg5[%get3A_221, %get3A_222] {strides = array<i32>} : memref<50x512xi32, #tpu.memory_space<vmem>>, vector<1x16xi32>,
    %get3A_224 = vector.shape_cast %get3A_223 : vector<1x16xi32> to vector<16xi32>
    %swap3A_225 = arith.constant 0 : i32
    %swap3A_226 = arith.constant 2 : i32
    %swap3A_227 = arith.index_cast %swap3A_225 : i32 to index
    %swap3A_228 = arith.index_cast %swap3A_226 : i32 to index
    %swap3A_229 = arith.constant 16 : index
    %swap3A_230 = tpu.vector_load %arg6[%swap3A_227, %swap3A_228, %swap3A_229] {strides = array<i32>} : memref<2x4x128xi32, #tpu.memory_space<vmem>>, vector<1x1x16xi32>,
    %swap3A_231 = vector.shape_cast %swap3A_230 : vector<1x1x16xi32> to vector<16xi32>
    %swap3A_232 = vector.shape_cast %get3A_224 : vector<16xi32> to vector<1x1x16xi32>
    tpu.vector_store %arg6[%swap3A_227, %swap3A_228, %swap3A_229], %swap3A_232 {strides = array<i32>} : memref<2x4x128xi32, #tpu.memory_space<vmem>>, vector<1x1x16xi32>,
    %get3A_233 = arith.constant 0 : i32
    %get3A_234 = arith.index_cast %get3A_233 : i32 to index
    %get3A_235 = arith.constant 288 : index
    %get3A_236 = tpu.vector_load %arg5[%get3A_234, %get3A_235] {strides = array<i32>} : memref<50x512xi32, #tpu.memory_space<vmem>>, vector<1x16xi32>,
    %get3A_237 = vector.shape_cast %get3A_236 : vector<1x16xi32> to vector<16xi32>
    %swap3A_238 = arith.constant 0 : i32
    %swap3A_239 = arith.constant 2 : i32
    %swap3A_240 = arith.index_cast %swap3A_238 : i32 to index
    %swap3A_241 = arith.index_cast %swap3A_239 : i32 to index
    %swap3A_242 = arith.constant 32 : index
    %swap3A_243 = tpu.vector_load %arg6[%swap3A_240, %swap3A_241, %swap3A_242] {strides = array<i32>} : memref<2x4x128xi32, #tpu.memory_space<vmem>>, vector<1x1x16xi32>,
    %swap3A_244 = vector.shape_cast %swap3A_243 : vector<1x1x16xi32> to vector<16xi32>
    %swap3A_245 = vector.shape_cast %get3A_237 : vector<16xi32> to vector<1x1x16xi32>
    tpu.vector_store %arg6[%swap3A_240, %swap3A_241, %swap3A_242], %swap3A_245 {strides = array<i32>} : memref<2x4x128xi32, #tpu.memory_space<vmem>>, vector<1x1x16xi32>,
    %get3A_246 = arith.constant 0 : i32
    %get3A_247 = arith.index_cast %get3A_246 : i32 to index
    %get3A_248 = arith.constant 304 : index
    %get3A_249 = tpu.vector_load %arg5[%get3A_247, %get3A_248] {strides = array<i32>} : memref<50x512xi32, #tpu.memory_space<vmem>>, vector<1x16xi32>,
    %get3A_250 = vector.shape_cast %get3A_249 : vector<1x16xi32> to vector<16xi32>
    %swap3A_251 = arith.constant 0 : i32
    %swap3A_252 = arith.constant 2 : i32
    %swap3A_253 = arith.index_cast %swap3A_251 : i32 to index
    %swap3A_254 = arith.index_cast %swap3A_252 : i32 to index
    %swap3A_255 = arith.constant 48 : index
    %swap3A_256 = tpu.vector_load %arg6[%swap3A_253, %swap3A_254, %swap3A_255] {strides = array<i32>} : memref<2x4x128xi32, #tpu.memory_space<vmem>>, vector<1x1x16xi32>,
    %swap3A_257 = vector.shape_cast %swap3A_256 : vector<1x1x16xi32> to vector<16xi32>
    %swap3A_258 = vector.shape_cast %get3A_250 : vector<16xi32> to vector<1x1x16xi32>
    tpu.vector_store %arg6[%swap3A_253, %swap3A_254, %swap3A_255], %swap3A_258 {strides = array<i32>} : memref<2x4x128xi32, #tpu.memory_space<vmem>>, vector<1x1x16xi32>,
    %get3A_259 = arith.constant 0 : i32
    %get3A_260 = arith.index_cast %get3A_259 : i32 to index
    %get3A_261 = arith.constant 320 : index
    %get3A_262 = tpu.vector_load %arg5[%get3A_260, %get3A_261] {strides = array<i32>} : memref<50x512xi32, #tpu.memory_space<vmem>>, vector<1x16xi32>,
    %get3A_263 = vector.shape_cast %get3A_262 : vector<1x16xi32> to vector<16xi32>
    %swap3A_264 = arith.constant 0 : i32
    %swap3A_265 = arith.constant 2 : i32
    %swap3A_266 = arith.index_cast %swap3A_264 : i32 to index
    %swap3A_267 = arith.index_cast %swap3A_265 : i32 to index
    %swap3A_268 = arith.constant 64 : index
    %swap3A_269 = tpu.vector_load %arg6[%swap3A_266, %swap3A_267, %swap3A_268] {strides = array<i32>} : memref<2x4x128xi32, #tpu.memory_space<vmem>>, vector<1x1x16xi32>,
    %swap3A_270 = vector.shape_cast %swap3A_269 : vector<1x1x16xi32> to vector<16xi32>
    %swap3A_271 = vector.shape_cast %get3A_263 : vector<16xi32> to vector<1x1x16xi32>
    tpu.vector_store %arg6[%swap3A_266, %swap3A_267, %swap3A_268], %swap3A_271 {strides = array<i32>} : memref<2x4x128xi32, #tpu.memory_space<vmem>>, vector<1x1x16xi32>,
    %get3A_272 = arith.constant 0 : i32
    %get3A_273 = arith.index_cast %get3A_272 : i32 to index
    %get3A_274 = arith.constant 336 : index
    %get3A_275 = tpu.vector_load %arg5[%get3A_273, %get3A_274] {strides = array<i32>} : memref<50x512xi32, #tpu.memory_space<vmem>>, vector<1x16xi32>,
    %get3A_276 = vector.shape_cast %get3A_275 : vector<1x16xi32> to vector<16xi32>
    %swap3A_277 = arith.constant 0 : i32
    %swap3A_278 = arith.constant 2 : i32
    %swap3A_279 = arith.index_cast %swap3A_277 : i32 to index
    %swap3A_280 = arith.index_cast %swap3A_278 : i32 to index
    %swap3A_281 = arith.constant 80 : index
    %swap3A_282 = tpu.vector_load %arg6[%swap3A_279, %swap3A_280, %swap3A_281] {strides = array<i32>} : memref<2x4x128xi32, #tpu.memory_space<vmem>>, vector<1x1x16xi32>,
    %swap3A_283 = vector.shape_cast %swap3A_282 : vector<1x1x16xi32> to vector<16xi32>
    %swap3A_284 = vector.shape_cast %get3A_276 : vector<16xi32> to vector<1x1x16xi32>
    tpu.vector_store %arg6[%swap3A_279, %swap3A_280, %swap3A_281], %swap3A_284 {strides = array<i32>} : memref<2x4x128xi32, #tpu.memory_space<vmem>>, vector<1x1x16xi32>,
    %get3A_285 = arith.constant 0 : i32
    %get3A_286 = arith.index_cast %get3A_285 : i32 to index
    %get3A_287 = arith.constant 352 : index
    %get3A_288 = tpu.vector_load %arg5[%get3A_286, %get3A_287] {strides = array<i32>} : memref<50x512xi32, #tpu.memory_space<vmem>>, vector<1x16xi32>,
    %get3A_289 = vector.shape_cast %get3A_288 : vector<1x16xi32> to vector<16xi32>
    %swap3A_290 = arith.constant 0 : i32
    %swap3A_291 = arith.constant 2 : i32
    %swap3A_292 = arith.index_cast %swap3A_290 : i32 to index
    %swap3A_293 = arith.index_cast %swap3A_291 : i32 to index
    %swap3A_294 = arith.constant 96 : index
    %swap3A_295 = tpu.vector_load %arg6[%swap3A_292, %swap3A_293, %swap3A_294] {strides = array<i32>} : memref<2x4x128xi32, #tpu.memory_space<vmem>>, vector<1x1x16xi32>,
    %swap3A_296 = vector.shape_cast %swap3A_295 : vector<1x1x16xi32> to vector<16xi32>
    %swap3A_297 = vector.shape_cast %get3A_289 : vector<16xi32> to vector<1x1x16xi32>
    tpu.vector_store %arg6[%swap3A_292, %swap3A_293, %swap3A_294], %swap3A_297 {strides = array<i32>} : memref<2x4x128xi32, #tpu.memory_space<vmem>>, vector<1x1x16xi32>,
    %get3A_298 = arith.constant 0 : i32
    %get3A_299 = arith.index_cast %get3A_298 : i32 to index
    %get3A_300 = arith.constant 368 : index
    %get3A_301 = tpu.vector_load %arg5[%get3A_299, %get3A_300] {strides = array<i32>} : memref<50x512xi32, #tpu.memory_space<vmem>>, vector<1x16xi32>,
    %get3A_302 = vector.shape_cast %get3A_301 : vector<1x16xi32> to vector<16xi32>
    %swap3A_303 = arith.constant 0 : i32
    %swap3A_304 = arith.constant 2 : i32
    %swap3A_305 = arith.index_cast %swap3A_303 : i32 to index
    %swap3A_306 = arith.index_cast %swap3A_304 : i32 to index
    %swap3A_307 = arith.constant 112 : index
    %swap3A_308 = tpu.vector_load %arg6[%swap3A_305, %swap3A_306, %swap3A_307] {strides = array<i32>} : memref<2x4x128xi32, #tpu.memory_space<vmem>>, vector<1x1x16xi32>,
    %swap3A_309 = vector.shape_cast %swap3A_308 : vector<1x1x16xi32> to vector<16xi32>
    %swap3A_310 = vector.shape_cast %get3A_302 : vector<16xi32> to vector<1x1x16xi32>
    tpu.vector_store %arg6[%swap3A_305, %swap3A_306, %swap3A_307], %swap3A_310 {strides = array<i32>} : memref<2x4x128xi32, #tpu.memory_space<vmem>>, vector<1x1x16xi32>,
    %get3A_311 = arith.constant 0 : i32
    %get3A_312 = arith.index_cast %get3A_311 : i32 to index
    %get3A_313 = arith.constant 384 : index
    %get3A_314 = tpu.vector_load %arg5[%get3A_312, %get3A_313] {strides = array<i32>} : memref<50x512xi32, #tpu.memory_space<vmem>>, vector<1x16xi32>,
    %get3A_315 = vector.shape_cast %get3A_314 : vector<1x16xi32> to vector<16xi32>
    %swap3A_316 = arith.constant 0 : i32
    %swap3A_317 = arith.constant 3 : i32
    %swap3A_318 = arith.index_cast %swap3A_316 : i32 to index
    %swap3A_319 = arith.index_cast %swap3A_317 : i32 to index
    %swap3A_320 = arith.constant 0 : index
    %swap3A_321 = tpu.vector_load %arg6[%swap3A_318, %swap3A_319, %swap3A_320] {strides = array<i32>} : memref<2x4x128xi32, #tpu.memory_space<vmem>>, vector<1x1x16xi32>,
    %swap3A_322 = vector.shape_cast %swap3A_321 : vector<1x1x16xi32> to vector<16xi32>
    %swap3A_323 = vector.shape_cast %get3A_315 : vector<16xi32> to vector<1x1x16xi32>
    tpu.vector_store %arg6[%swap3A_318, %swap3A_319, %swap3A_320], %swap3A_323 {strides = array<i32>} : memref<2x4x128xi32, #tpu.memory_space<vmem>>, vector<1x1x16xi32>,
    %get3A_324 = arith.constant 0 : i32
    %get3A_325 = arith.index_cast %get3A_324 : i32 to index
    %get3A_326 = arith.constant 400 : index
    %get3A_327 = tpu.vector_load %arg5[%get3A_325, %get3A_326] {strides = array<i32>} : memref<50x512xi32, #tpu.memory_space<vmem>>, vector<1x16xi32>,
    %get3A_328 = vector.shape_cast %get3A_327 : vector<1x16xi32> to vector<16xi32>
    %swap3A_329 = arith.constant 0 : i32
    %swap3A_330 = arith.constant 3 : i32
    %swap3A_331 = arith.index_cast %swap3A_329 : i32 to index
    %swap3A_332 = arith.index_cast %swap3A_330 : i32 to index
    %swap3A_333 = arith.constant 16 : index
    %swap3A_334 = tpu.vector_load %arg6[%swap3A_331, %swap3A_332, %swap3A_333] {strides = array<i32>} : memref<2x4x128xi32, #tpu.memory_space<vmem>>, vector<1x1x16xi32>,
    %swap3A_335 = vector.shape_cast %swap3A_334 : vector<1x1x16xi32> to vector<16xi32>
    %swap3A_336 = vector.shape_cast %get3A_328 : vector<16xi32> to vector<1x1x16xi32>
    tpu.vector_store %arg6[%swap3A_331, %swap3A_332, %swap3A_333], %swap3A_336 {strides = array<i32>} : memref<2x4x128xi32, #tpu.memory_space<vmem>>, vector<1x1x16xi32>,
    %get3A_337 = arith.constant 0 : i32
    %get3A_338 = arith.index_cast %get3A_337 : i32 to index
    %get3A_339 = arith.constant 416 : index
    %get3A_340 = tpu.vector_load %arg5[%get3A_338, %get3A_339] {strides = array<i32>} : memref<50x512xi32, #tpu.memory_space<vmem>>, vector<1x16xi32>,
    %get3A_341 = vector.shape_cast %get3A_340 : vector<1x16xi32> to vector<16xi32>
    %swap3A_342 = arith.constant 0 : i32
    %swap3A_343 = arith.constant 3 : i32
    %swap3A_344 = arith.index_cast %swap3A_342 : i32 to index
    %swap3A_345 = arith.index_cast %swap3A_343 : i32 to index
    %swap3A_346 = arith.constant 32 : index
    %swap3A_347 = tpu.vector_load %arg6[%swap3A_344, %swap3A_345, %swap3A_346] {strides = array<i32>} : memref<2x4x128xi32, #tpu.memory_space<vmem>>, vector<1x1x16xi32>,
    %swap3A_348 = vector.shape_cast %swap3A_347 : vector<1x1x16xi32> to vector<16xi32>
    %swap3A_349 = vector.shape_cast %get3A_341 : vector<16xi32> to vector<1x1x16xi32>
    tpu.vector_store %arg6[%swap3A_344, %swap3A_345, %swap3A_346], %swap3A_349 {strides = array<i32>} : memref<2x4x128xi32, #tpu.memory_space<vmem>>, vector<1x1x16xi32>,
    %get3A_350 = arith.constant 0 : i32
    %get3A_351 = arith.index_cast %get3A_350 : i32 to index
    %get3A_352 = arith.constant 432 : index
    %get3A_353 = tpu.vector_load %arg5[%get3A_351, %get3A_352] {strides = array<i32>} : memref<50x512xi32, #tpu.memory_space<vmem>>, vector<1x16xi32>,
    %get3A_354 = vector.shape_cast %get3A_353 : vector<1x16xi32> to vector<16xi32>
    %swap3A_355 = arith.constant 0 : i32
    %swap3A_356 = arith.constant 3 : i32
    %swap3A_357 = arith.index_cast %swap3A_355 : i32 to index
    %swap3A_358 = arith.index_cast %swap3A_356 : i32 to index
    %swap3A_359 = arith.constant 48 : index
    %swap3A_360 = tpu.vector_load %arg6[%swap3A_357, %swap3A_358, %swap3A_359] {strides = array<i32>} : memref<2x4x128xi32, #tpu.memory_space<vmem>>, vector<1x1x16xi32>,
    %swap3A_361 = vector.shape_cast %swap3A_360 : vector<1x1x16xi32> to vector<16xi32>
    %swap3A_362 = vector.shape_cast %get3A_354 : vector<16xi32> to vector<1x1x16xi32>
    tpu.vector_store %arg6[%swap3A_357, %swap3A_358, %swap3A_359], %swap3A_362 {strides = array<i32>} : memref<2x4x128xi32, #tpu.memory_space<vmem>>, vector<1x1x16xi32>,
    %get3A_363 = arith.constant 0 : i32
    %get3A_364 = arith.index_cast %get3A_363 : i32 to index
    %get3A_365 = arith.constant 448 : index
    %get3A_366 = tpu.vector_load %arg5[%get3A_364, %get3A_365] {strides = array<i32>} : memref<50x512xi32, #tpu.memory_space<vmem>>, vector<1x16xi32>,
    %get3A_367 = vector.shape_cast %get3A_366 : vector<1x16xi32> to vector<16xi32>
    %swap3A_368 = arith.constant 0 : i32
    %swap3A_369 = arith.constant 3 : i32
    %swap3A_370 = arith.index_cast %swap3A_368 : i32 to index
    %swap3A_371 = arith.index_cast %swap3A_369 : i32 to index
    %swap3A_372 = arith.constant 64 : index
    %swap3A_373 = tpu.vector_load %arg6[%swap3A_370, %swap3A_371, %swap3A_372] {strides = array<i32>} : memref<2x4x128xi32, #tpu.memory_space<vmem>>, vector<1x1x16xi32>,
    %swap3A_374 = vector.shape_cast %swap3A_373 : vector<1x1x16xi32> to vector<16xi32>
    %swap3A_375 = vector.shape_cast %get3A_367 : vector<16xi32> to vector<1x1x16xi32>
    tpu.vector_store %arg6[%swap3A_370, %swap3A_371, %swap3A_372], %swap3A_375 {strides = array<i32>} : memref<2x4x128xi32, #tpu.memory_space<vmem>>, vector<1x1x16xi32>,
    %get3A_376 = arith.constant 0 : i32
    %get3A_377 = arith.index_cast %get3A_376 : i32 to index
    %get3A_378 = arith.constant 464 : index
    %get3A_379 = tpu.vector_load %arg5[%get3A_377, %get3A_378] {strides = array<i32>} : memref<50x512xi32, #tpu.memory_space<vmem>>, vector<1x16xi32>,
    %get3A_380 = vector.shape_cast %get3A_379 : vector<1x16xi32> to vector<16xi32>
    %swap3A_381 = arith.constant 0 : i32
    %swap3A_382 = arith.constant 3 : i32
    %swap3A_383 = arith.index_cast %swap3A_381 : i32 to index
    %swap3A_384 = arith.index_cast %swap3A_382 : i32 to index
    %swap3A_385 = arith.constant 80 : index
    %swap3A_386 = tpu.vector_load %arg6[%swap3A_383, %swap3A_384, %swap3A_385] {strides = array<i32>} : memref<2x4x128xi32, #tpu.memory_space<vmem>>, vector<1x1x16xi32>,
    %swap3A_387 = vector.shape_cast %swap3A_386 : vector<1x1x16xi32> to vector<16xi32>
    %swap3A_388 = vector.shape_cast %get3A_380 : vector<16xi32> to vector<1x1x16xi32>
    tpu.vector_store %arg6[%swap3A_383, %swap3A_384, %swap3A_385], %swap3A_388 {strides = array<i32>} : memref<2x4x128xi32, #tpu.memory_space<vmem>>, vector<1x1x16xi32>,
    %get3A_389 = arith.constant 0 : i32
    %get3A_390 = arith.index_cast %get3A_389 : i32 to index
    %get3A_391 = arith.constant 480 : index
    %get3A_392 = tpu.vector_load %arg5[%get3A_390, %get3A_391] {strides = array<i32>} : memref<50x512xi32, #tpu.memory_space<vmem>>, vector<1x16xi32>,
    %get3A_393 = vector.shape_cast %get3A_392 : vector<1x16xi32> to vector<16xi32>
    %swap3A_394 = arith.constant 0 : i32
    %swap3A_395 = arith.constant 3 : i32
    %swap3A_396 = arith.index_cast %swap3A_394 : i32 to index
    %swap3A_397 = arith.index_cast %swap3A_395 : i32 to index
    %swap3A_398 = arith.constant 96 : index
    %swap3A_399 = tpu.vector_load %arg6[%swap3A_396, %swap3A_397, %swap3A_398] {strides = array<i32>} : memref<2x4x128xi32, #tpu.memory_space<vmem>>, vector<1x1x16xi32>,
    %swap3A_400 = vector.shape_cast %swap3A_399 : vector<1x1x16xi32> to vector<16xi32>
    %swap3A_401 = vector.shape_cast %get3A_393 : vector<16xi32> to vector<1x1x16xi32>
    tpu.vector_store %arg6[%swap3A_396, %swap3A_397, %swap3A_398], %swap3A_401 {strides = array<i32>} : memref<2x4x128xi32, #tpu.memory_space<vmem>>, vector<1x1x16xi32>,
    %get3A_402 = arith.constant 0 : i32
    %get3A_403 = arith.index_cast %get3A_402 : i32 to index
    %get3A_404 = arith.constant 496 : index
    %get3A_405 = tpu.vector_load %arg5[%get3A_403, %get3A_404] {strides = array<i32>} : memref<50x512xi32, #tpu.memory_space<vmem>>, vector<1x16xi32>,
    %get3A_406 = vector.shape_cast %get3A_405 : vector<1x16xi32> to vector<16xi32>
    %swap3A_407 = arith.constant 0 : i32
    %swap3A_408 = arith.constant 3 : i32
    %swap3A_409 = arith.index_cast %swap3A_407 : i32 to index
    %swap3A_410 = arith.index_cast %swap3A_408 : i32 to index
    %swap3A_411 = arith.constant 112 : index
    %swap3A_412 = tpu.vector_load %arg6[%swap3A_409, %swap3A_410, %swap3A_411] {strides = array<i32>} : memref<2x4x128xi32, #tpu.memory_space<vmem>>, vector<1x1x16xi32>,
    %swap3A_413 = vector.shape_cast %swap3A_412 : vector<1x1x16xi32> to vector<16xi32>
    %swap3A_414 = vector.shape_cast %get3A_406 : vector<16xi32> to vector<1x1x16xi32>
    tpu.vector_store %arg6[%swap3A_409, %swap3A_410, %swap3A_411], %swap3A_414 {strides = array<i32>} : memref<2x4x128xi32, #tpu.memory_space<vmem>>, vector<1x1x16xi32>,
    %dma_start3A = arith.constant 0 : i32
    %dma_start3A_415 = arith.constant 0 : i32
    %dma_start3A_416 = arith.constant 0 : i32
    %dma_start3A_417 = arith.constant 0 : i32
    %dma_start3A_418 = arith.constant 0 : i32
    %dma_start3A_419 = arith.constant 0 : i32
    %dma_start3A_420 = tpu.memref_slice %arg7[%dma_start3A_416, %dma_start3A_417, %dma_start3A_418, %dma_start3A_419] : memref<2x4x128x64xf32, #tpu.memory_space<vmem>> -> memref<1x1x128x64xf32, #tpu.memory_space<vmem>>
    %dma_start3A_421 = tpu.memref_squeeze %dma_start3A_420 : memref<1x1x128x64xf32, #tpu.memory_space<vmem>> -> memref<128x64xf32, #tpu.memory_space<vmem>>
    %dma_start3A_422 = arith.constant 0 : i32
    %dma_start3A_423 = tpu.memref_slice %arg6[%dma_start3A, %dma_start3A_415, %dma_start3A_422] : memref<2x4x128xi32, #tpu.memory_space<vmem>> -> memref<1x1x128xi32, #tpu.memory_space<vmem>>
    %dma_start3A_424 = tpu.memref_squeeze %dma_start3A_423 : memref<1x1x128xi32, #tpu.memory_space<vmem>> -> memref<128xi32, #tpu.memory_space<vmem>>
    %dma_start3A_425 = arith.constant 0 : i32
    %dma_start3A_426 = arith.constant 0 : i32
    %dma_start3A_427 = tpu.memref_slice %arg3[%dma_start3A_425, %dma_start3A_426] : memref<1000000x64xf32, #tpu.memory_space<hbm>> -> memref<1000000x64xf32, #tpu.memory_space<hbm>>
    tpu.enqueue_indirect_dma source(%dma_start3A_427 : memref<1000000x64xf32, #tpu.memory_space<hbm>>) target(%dma_start3A_421 : memref<128x64xf32, #tpu.memory_space<vmem>>) offsets(%dma_start3A_424 : memref<128xi32, #tpu.memory_space<vmem>>) semaphore(%arg8 : memref<!tpu.dma_semaphore, #tpu.memory_space<semaphore_mem>>)
    %dma_start3A_428 = arith.constant 0 : i32
    %dma_start3A_429 = arith.constant 1 : i32
    %dma_start3A_430 = arith.constant 0 : i32
    %dma_start3A_431 = arith.constant 1 : i32
    %dma_start3A_432 = arith.constant 0 : i32
    %dma_start3A_433 = arith.constant 0 : i32
    %dma_start3A_434 = tpu.memref_slice %arg7[%dma_start3A_430, %dma_start3A_431, %dma_start3A_432, %dma_start3A_433] : memref<2x4x128x64xf32, #tpu.memory_space<vmem>> -> memref<1x1x128x64xf32, #tpu.memory_space<vmem>>
    %dma_start3A_435 = tpu.memref_squeeze %dma_start3A_434 : memref<1x1x128x64xf32, #tpu.memory_space<vmem>> -> memref<128x64xf32, #tpu.memory_space<vmem>>
    %dma_start3A_436 = arith.constant 0 : i32
    %dma_start3A_437 = tpu.memref_slice %arg6[%dma_start3A_428, %dma_start3A_429, %dma_start3A_436] : memref<2x4x128xi32, #tpu.memory_space<vmem>> -> memref<1x1x128xi32, #tpu.memory_space<vmem>>
    %dma_start3A_438 = tpu.memref_squeeze %dma_start3A_437 : memref<1x1x128xi32, #tpu.memory_space<vmem>> -> memref<128xi32, #tpu.memory_space<vmem>>
    %dma_start3A_439 = arith.constant 0 : i32
    %dma_start3A_440 = arith.constant 0 : i32
    %dma_start3A_441 = tpu.memref_slice %arg3[%dma_start3A_439, %dma_start3A_440] : memref<1000000x64xf32, #tpu.memory_space<hbm>> -> memref<1000000x64xf32, #tpu.memory_space<hbm>>
    tpu.enqueue_indirect_dma source(%dma_start3A_441 : memref<1000000x64xf32, #tpu.memory_space<hbm>>) target(%dma_start3A_435 : memref<128x64xf32, #tpu.memory_space<vmem>>) offsets(%dma_start3A_438 : memref<128xi32, #tpu.memory_space<vmem>>) semaphore(%arg8 : memref<!tpu.dma_semaphore, #tpu.memory_space<semaphore_mem>>)
    %dma_start3A_442 = arith.constant 0 : i32
    %dma_start3A_443 = arith.constant 2 : i32
    %dma_start3A_444 = arith.constant 0 : i32
    %dma_start3A_445 = arith.constant 2 : i32
    %dma_start3A_446 = arith.constant 0 : i32
    %dma_start3A_447 = arith.constant 0 : i32
    %dma_start3A_448 = tpu.memref_slice %arg7[%dma_start3A_444, %dma_start3A_445, %dma_start3A_446, %dma_start3A_447] : memref<2x4x128x64xf32, #tpu.memory_space<vmem>> -> memref<1x1x128x64xf32, #tpu.memory_space<vmem>>
    %dma_start3A_449 = tpu.memref_squeeze %dma_start3A_448 : memref<1x1x128x64xf32, #tpu.memory_space<vmem>> -> memref<128x64xf32, #tpu.memory_space<vmem>>
    %dma_start3A_450 = arith.constant 0 : i32
    %dma_start3A_451 = tpu.memref_slice %arg6[%dma_start3A_442, %dma_start3A_443, %dma_start3A_450] : memref<2x4x128xi32, #tpu.memory_space<vmem>> -> memref<1x1x128xi32, #tpu.memory_space<vmem>>
    %dma_start3A_452 = tpu.memref_squeeze %dma_start3A_451 : memref<1x1x128xi32, #tpu.memory_space<vmem>> -> memref<128xi32, #tpu.memory_space<vmem>>
    %dma_start3A_453 = arith.constant 0 : i32
    %dma_start3A_454 = arith.constant 0 : i32
    %dma_start3A_455 = tpu.memref_slice %arg3[%dma_start3A_453, %dma_start3A_454] : memref<1000000x64xf32, #tpu.memory_space<hbm>> -> memref<1000000x64xf32, #tpu.memory_space<hbm>>
    tpu.enqueue_indirect_dma source(%dma_start3A_455 : memref<1000000x64xf32, #tpu.memory_space<hbm>>) target(%dma_start3A_449 : memref<128x64xf32, #tpu.memory_space<vmem>>) offsets(%dma_start3A_452 : memref<128xi32, #tpu.memory_space<vmem>>) semaphore(%arg8 : memref<!tpu.dma_semaphore, #tpu.memory_space<semaphore_mem>>)
    %dma_start3A_456 = arith.constant 0 : i32
    %dma_start3A_457 = arith.constant 3 : i32
    %dma_start3A_458 = arith.constant 0 : i32
    %dma_start3A_459 = arith.constant 3 : i32
    %dma_start3A_460 = arith.constant 0 : i32
    %dma_start3A_461 = arith.constant 0 : i32
    %dma_start3A_462 = tpu.memref_slice %arg7[%dma_start3A_458, %dma_start3A_459, %dma_start3A_460, %dma_start3A_461] : memref<2x4x128x64xf32, #tpu.memory_space<vmem>> -> memref<1x1x128x64xf32, #tpu.memory_space<vmem>>
    %dma_start3A_463 = tpu.memref_squeeze %dma_start3A_462 : memref<1x1x128x64xf32, #tpu.memory_space<vmem>> -> memref<128x64xf32, #tpu.memory_space<vmem>>
    %dma_start3A_464 = arith.constant 0 : i32
    %dma_start3A_465 = tpu.memref_slice %arg6[%dma_start3A_456, %dma_start3A_457, %dma_start3A_464] : memref<2x4x128xi32, #tpu.memory_space<vmem>> -> memref<1x1x128xi32, #tpu.memory_space<vmem>>
    %dma_start3A_466 = tpu.memref_squeeze %dma_start3A_465 : memref<1x1x128xi32, #tpu.memory_space<vmem>> -> memref<128xi32, #tpu.memory_space<vmem>>
    %dma_start3A_467 = arith.constant 0 : i32
    %dma_start3A_468 = arith.constant 0 : i32
    %dma_start3A_469 = tpu.memref_slice %arg3[%dma_start3A_467, %dma_start3A_468] : memref<1000000x64xf32, #tpu.memory_space<hbm>> -> memref<1000000x64xf32, #tpu.memory_space<hbm>>
    tpu.enqueue_indirect_dma source(%dma_start3A_469 : memref<1000000x64xf32, #tpu.memory_space<hbm>>) target(%dma_start3A_463 : memref<128x64xf32, #tpu.memory_space<vmem>>) offsets(%dma_start3A_466 : memref<128xi32, #tpu.memory_space<vmem>>) semaphore(%arg8 : memref<!tpu.dma_semaphore, #tpu.memory_space<semaphore_mem>>)
    %scan3A = arith.constant 0 : i32
    %scan3A_470 = arith.constant 0 : i32
    %scan3A_471 = arith.constant 25 : i32
    %scan3A_472 = arith.addi %scan3A_470, %scan3A_471 : i32
    %scan3A_473 = arith.constant 1 : i32
    scf.for %scan3A_520 = %scan3A_470 to %scan3A_472 step %scan3A_473  : i32 {
      %mul3A_521 = arith.constant 2 : i32
      %mul3A_522 = arith.muli %mul3A_521, %scan3A_520 : i32
      %add3A_523 = arith.constant 0 : i32
      %add3A_524 = arith.addi %mul3A_522, %add3A_523 : i32
      %add3A_525 = arith.constant 1 : i32
      %add3A_526 = arith.addi %add3A_524, %add3A_525 : i32
      %lt3A = arith.constant 50 : i32
      %lt3A_527 = arith.cmpi slt, %add3A_526, %lt3A : i32
      %convert_element_type3A = arith.extui %lt3A_527 : i1 to i32
      %cond3A = arith.constant 0 : i32
      %cond3A_528 = arith.cmpi ne, %convert_element_type3A, %cond3A : i32
      scf.if %cond3A_528 {
        %ge3A = arith.constant 1 : i32
        %ge3A_710 = arith.cmpi sge, %add3A_524, %ge3A : i32
        %convert_element_type3A_711 = arith.extui %ge3A_710 : i1 to i32
        %cond3A_712 = arith.constant 0 : i32
        %cond3A_713 = arith.cmpi ne, %convert_element_type3A_711, %cond3A_712 : i32
        scf.if %cond3A_713 {
          %dma_wait3A_1156 = arith.constant 1 : i32
          %dma_wait3A_1157 = arith.constant 0 : i32
          %dma_wait3A_1158 = arith.constant 0 : i32
          %dma_wait3A_1159 = arith.constant 0 : i32
          %dma_wait3A_1160 = arith.constant 0 : i32
          %dma_wait3A_1161 = arith.constant 0 : i32
          %dma_wait3A_1162 = tpu.memref_slice %arg7[%dma_wait3A_1156, %dma_wait3A_1159, %dma_wait3A_1160, %dma_wait3A_1161] : memref<2x4x128x64xf32, #tpu.memory_space<vmem>> -> memref<1x4x128x64xf32, #tpu.memory_space<vmem>>
          %dma_wait3A_1163 = tpu.memref_squeeze %dma_wait3A_1162 : memref<1x4x128x64xf32, #tpu.memory_space<vmem>> -> memref<4x128x64xf32, #tpu.memory_space<vmem>>
          %dma_wait3A_1164 = arith.constant 0 : i32
          %dma_wait3A_1165 = arith.constant 0 : i32
          %dma_wait3A_1166 = arith.constant 0 : i32
          %dma_wait3A_1167 = tpu.memref_slice %arg4[%dma_wait3A_1157, %dma_wait3A_1158, %dma_wait3A_1164, %dma_wait3A_1165, %dma_wait3A_1166] : memref<32x50x4x128x64xf32, #tpu.memory_space<hbm>> -> memref<1x1x4x128x64xf32, #tpu.memory_space<hbm>>
          %dma_wait3A_1168 = tpu.memref_squeeze %dma_wait3A_1167 : memref<1x1x4x128x64xf32, #tpu.memory_space<hbm>> -> memref<4x128x64xf32, #tpu.memory_space<hbm>>
          %dma_wait3A_1169 = arith.constant 0 : i32
          %dma_wait3A_1170 = arith.constant 0 : i32
          %dma_wait3A_1171 = arith.constant 0 : i32
          %dma_wait3A_1172 = tpu.memref_slice %arg4[%dma_wait3A_1157, %dma_wait3A_1158, %dma_wait3A_1169, %dma_wait3A_1170, %dma_wait3A_1171] : memref<32x50x4x128x64xf32, #tpu.memory_space<hbm>> -> memref<1x1x4x128x64xf32, #tpu.memory_space<hbm>>
          %dma_wait3A_1173 = tpu.memref_squeeze %dma_wait3A_1172 : memref<1x1x4x128x64xf32, #tpu.memory_space<hbm>> -> memref<4x128x64xf32, #tpu.memory_space<hbm>>
          %dma_wait3A_1174 = arith.constant 0 : i32
          %dma_wait3A_1175 = arith.constant 0 : i32
          %dma_wait3A_1176 = arith.constant 0 : i32
          %dma_wait3A_1177 = tpu.memref_slice %arg7[%dma_wait3A_1156, %dma_wait3A_1174, %dma_wait3A_1175, %dma_wait3A_1176] : memref<2x4x128x64xf32, #tpu.memory_space<vmem>> -> memref<1x4x128x64xf32, #tpu.memory_space<vmem>>
          %dma_wait3A_1178 = tpu.memref_squeeze %dma_wait3A_1177 : memref<1x4x128x64xf32, #tpu.memory_space<vmem>> -> memref<4x128x64xf32, #tpu.memory_space<vmem>>
          tpu.wait_dma2 semaphore(%arg11 : memref<!tpu.dma_semaphore, #tpu.memory_space<semaphore_mem>>) src(%dma_wait3A_1178 : memref<4x128x64xf32, #tpu.memory_space<vmem>>) dst(%dma_wait3A_1173 : memref<4x128x64xf32, #tpu.memory_space<hbm>>)
        } else {
        }
        %add3A_714 = arith.constant 1 : i32
        %add3A_715 = arith.addi %add3A_524, %add3A_714 : i32
        %get3A_716 = arith.index_cast %add3A_715 : i32 to index
        %get3A_717 = arith.constant 0 : index
        %get3A_718 = tpu.vector_load %arg5[%get3A_716, %get3A_717] {strides = array<i32>} : memref<50x512xi32, #tpu.memory_space<vmem>>, vector<1x16xi32>,
        %get3A_719 = vector.shape_cast %get3A_718 : vector<1x16xi32> to vector<16xi32>
        %swap3A_720 = arith.constant 1 : i32
        %swap3A_721 = arith.constant 0 : i32
        %swap3A_722 = arith.index_cast %swap3A_720 : i32 to index
        %swap3A_723 = arith.index_cast %swap3A_721 : i32 to index
        %swap3A_724 = arith.constant 0 : index
        %swap3A_725 = tpu.vector_load %arg6[%swap3A_722, %swap3A_723, %swap3A_724] {strides = array<i32>} : memref<2x4x128xi32, #tpu.memory_space<vmem>>, vector<1x1x16xi32>,
        %swap3A_726 = vector.shape_cast %swap3A_725 : vector<1x1x16xi32> to vector<16xi32>
        %swap3A_727 = vector.shape_cast %get3A_719 : vector<16xi32> to vector<1x1x16xi32>
        tpu.vector_store %arg6[%swap3A_722, %swap3A_723, %swap3A_724], %swap3A_727 {strides = array<i32>} : memref<2x4x128xi32, #tpu.memory_space<vmem>>, vector<1x1x16xi32>,
        %get3A_728 = arith.index_cast %add3A_715 : i32 to index
        %get3A_729 = arith.constant 16 : index
        %get3A_730 = tpu.vector_load %arg5[%get3A_728, %get3A_729] {strides = array<i32>} : memref<50x512xi32, #tpu.memory_space<vmem>>, vector<1x16xi32>,
        %get3A_731 = vector.shape_cast %get3A_730 : vector<1x16xi32> to vector<16xi32>
        %swap3A_732 = arith.constant 1 : i32
        %swap3A_733 = arith.constant 0 : i32
        %swap3A_734 = arith.index_cast %swap3A_732 : i32 to index
        %swap3A_735 = arith.index_cast %swap3A_733 : i32 to index
        %swap3A_736 = arith.constant 16 : index
        %swap3A_737 = tpu.vector_load %arg6[%swap3A_734, %swap3A_735, %swap3A_736] {strides = array<i32>} : memref<2x4x128xi32, #tpu.memory_space<vmem>>, vector<1x1x16xi32>,
        %swap3A_738 = vector.shape_cast %swap3A_737 : vector<1x1x16xi32> to vector<16xi32>
        %swap3A_739 = vector.shape_cast %get3A_731 : vector<16xi32> to vector<1x1x16xi32>
        tpu.vector_store %arg6[%swap3A_734, %swap3A_735, %swap3A_736], %swap3A_739 {strides = array<i32>} : memref<2x4x128xi32, #tpu.memory_space<vmem>>, vector<1x1x16xi32>,
        %get3A_740 = arith.index_cast %add3A_715 : i32 to index
        %get3A_741 = arith.constant 32 : index
        %get3A_742 = tpu.vector_load %arg5[%get3A_740, %get3A_741] {strides = array<i32>} : memref<50x512xi32, #tpu.memory_space<vmem>>, vector<1x16xi32>,
        %get3A_743 = vector.shape_cast %get3A_742 : vector<1x16xi32> to vector<16xi32>
        %swap3A_744 = arith.constant 1 : i32
        %swap3A_745 = arith.constant 0 : i32
        %swap3A_746 = arith.index_cast %swap3A_744 : i32 to index
        %swap3A_747 = arith.index_cast %swap3A_745 : i32 to index
        %swap3A_748 = arith.constant 32 : index
        %swap3A_749 = tpu.vector_load %arg6[%swap3A_746, %swap3A_747, %swap3A_748] {strides = array<i32>} : memref<2x4x128xi32, #tpu.memory_space<vmem>>, vector<1x1x16xi32>,
        %swap3A_750 = vector.shape_cast %swap3A_749 : vector<1x1x16xi32> to vector<16xi32>
        %swap3A_751 = vector.shape_cast %get3A_743 : vector<16xi32> to vector<1x1x16xi32>
        tpu.vector_store %arg6[%swap3A_746, %swap3A_747, %swap3A_748], %swap3A_751 {strides = array<i32>} : memref<2x4x128xi32, #tpu.memory_space<vmem>>, vector<1x1x16xi32>,
        %get3A_752 = arith.index_cast %add3A_715 : i32 to index
        %get3A_753 = arith.constant 48 : index
        %get3A_754 = tpu.vector_load %arg5[%get3A_752, %get3A_753] {strides = array<i32>} : memref<50x512xi32, #tpu.memory_space<vmem>>, vector<1x16xi32>,
        %get3A_755 = vector.shape_cast %get3A_754 : vector<1x16xi32> to vector<16xi32>
        %swap3A_756 = arith.constant 1 : i32
        %swap3A_757 = arith.constant 0 : i32
        %swap3A_758 = arith.index_cast %swap3A_756 : i32 to index
        %swap3A_759 = arith.index_cast %swap3A_757 : i32 to index
        %swap3A_760 = arith.constant 48 : index
        %swap3A_761 = tpu.vector_load %arg6[%swap3A_758, %swap3A_759, %swap3A_760] {strides = array<i32>} : memref<2x4x128xi32, #tpu.memory_space<vmem>>, vector<1x1x16xi32>,
        %swap3A_762 = vector.shape_cast %swap3A_761 : vector<1x1x16xi32> to vector<16xi32>
        %swap3A_763 = vector.shape_cast %get3A_755 : vector<16xi32> to vector<1x1x16xi32>
        tpu.vector_store %arg6[%swap3A_758, %swap3A_759, %swap3A_760], %swap3A_763 {strides = array<i32>} : memref<2x4x128xi32, #tpu.memory_space<vmem>>, vector<1x1x16xi32>,
        %get3A_764 = arith.index_cast %add3A_715 : i32 to index
        %get3A_765 = arith.constant 64 : index
        %get3A_766 = tpu.vector_load %arg5[%get3A_764, %get3A_765] {strides = array<i32>} : memref<50x512xi32, #tpu.memory_space<vmem>>, vector<1x16xi32>,
        %get3A_767 = vector.shape_cast %get3A_766 : vector<1x16xi32> to vector<16xi32>
        %swap3A_768 = arith.constant 1 : i32
        %swap3A_769 = arith.constant 0 : i32
        %swap3A_770 = arith.index_cast %swap3A_768 : i32 to index
        %swap3A_771 = arith.index_cast %swap3A_769 : i32 to index
        %swap3A_772 = arith.constant 64 : index
        %swap3A_773 = tpu.vector_load %arg6[%swap3A_770, %swap3A_771, %swap3A_772] {strides = array<i32>} : memref<2x4x128xi32, #tpu.memory_space<vmem>>, vector<1x1x16xi32>,
        %swap3A_774 = vector.shape_cast %swap3A_773 : vector<1x1x16xi32> to vector<16xi32>
        %swap3A_775 = vector.shape_cast %get3A_767 : vector<16xi32> to vector<1x1x16xi32>
        tpu.vector_store %arg6[%swap3A_770, %swap3A_771, %swap3A_772], %swap3A_775 {strides = array<i32>} : memref<2x4x128xi32, #tpu.memory_space<vmem>>, vector<1x1x16xi32>,
        %get3A_776 = arith.index_cast %add3A_715 : i32 to index
        %get3A_777 = arith.constant 80 : index
        %get3A_778 = tpu.vector_load %arg5[%get3A_776, %get3A_777] {strides = array<i32>} : memref<50x512xi32, #tpu.memory_space<vmem>>, vector<1x16xi32>,
        %get3A_779 = vector.shape_cast %get3A_778 : vector<1x16xi32> to vector<16xi32>
        %swap3A_780 = arith.constant 1 : i32
        %swap3A_781 = arith.constant 0 : i32
        %swap3A_782 = arith.index_cast %swap3A_780 : i32 to index
        %swap3A_783 = arith.index_cast %swap3A_781 : i32 to index
        %swap3A_784 = arith.constant 80 : index
        %swap3A_785 = tpu.vector_load %arg6[%swap3A_782, %swap3A_783, %swap3A_784] {strides = array<i32>} : memref<2x4x128xi32, #tpu.memory_space<vmem>>, vector<1x1x16xi32>,
        %swap3A_786 = vector.shape_cast %swap3A_785 : vector<1x1x16xi32> to vector<16xi32>
        %swap3A_787 = vector.shape_cast %get3A_779 : vector<16xi32> to vector<1x1x16xi32>
        tpu.vector_store %arg6[%swap3A_782, %swap3A_783, %swap3A_784], %swap3A_787 {strides = array<i32>} : memref<2x4x128xi32, #tpu.memory_space<vmem>>, vector<1x1x16xi32>,
        %get3A_788 = arith.index_cast %add3A_715 : i32 to index
        %get3A_789 = arith.constant 96 : index
        %get3A_790 = tpu.vector_load %arg5[%get3A_788, %get3A_789] {strides = array<i32>} : memref<50x512xi32, #tpu.memory_space<vmem>>, vector<1x16xi32>,
        %get3A_791 = vector.shape_cast %get3A_790 : vector<1x16xi32> to vector<16xi32>
        %swap3A_792 = arith.constant 1 : i32
        %swap3A_793 = arith.constant 0 : i32
        %swap3A_794 = arith.index_cast %swap3A_792 : i32 to index
        %swap3A_795 = arith.index_cast %swap3A_793 : i32 to index
        %swap3A_796 = arith.constant 96 : index
        %swap3A_797 = tpu.vector_load %arg6[%swap3A_794, %swap3A_795, %swap3A_796] {strides = array<i32>} : memref<2x4x128xi32, #tpu.memory_space<vmem>>, vector<1x1x16xi32>,
        %swap3A_798 = vector.shape_cast %swap3A_797 : vector<1x1x16xi32> to vector<16xi32>
        %swap3A_799 = vector.shape_cast %get3A_791 : vector<16xi32> to vector<1x1x16xi32>
        tpu.vector_store %arg6[%swap3A_794, %swap3A_795, %swap3A_796], %swap3A_799 {strides = array<i32>} : memref<2x4x128xi32, #tpu.memory_space<vmem>>, vector<1x1x16xi32>,
        %get3A_800 = arith.index_cast %add3A_715 : i32 to index
        %get3A_801 = arith.constant 112 : index
        %get3A_802 = tpu.vector_load %arg5[%get3A_800, %get3A_801] {strides = array<i32>} : memref<50x512xi32, #tpu.memory_space<vmem>>, vector<1x16xi32>,
        %get3A_803 = vector.shape_cast %get3A_802 : vector<1x16xi32> to vector<16xi32>
        %swap3A_804 = arith.constant 1 : i32
        %swap3A_805 = arith.constant 0 : i32
        %swap3A_806 = arith.index_cast %swap3A_804 : i32 to index
        %swap3A_807 = arith.index_cast %swap3A_805 : i32 to index
        %swap3A_808 = arith.constant 112 : index
        %swap3A_809 = tpu.vector_load %arg6[%swap3A_806, %swap3A_807, %swap3A_808] {strides = array<i32>} : memref<2x4x128xi32, #tpu.memory_space<vmem>>, vector<1x1x16xi32>,
        %swap3A_810 = vector.shape_cast %swap3A_809 : vector<1x1x16xi32> to vector<16xi32>
        %swap3A_811 = vector.shape_cast %get3A_803 : vector<16xi32> to vector<1x1x16xi32>
        tpu.vector_store %arg6[%swap3A_806, %swap3A_807, %swap3A_808], %swap3A_811 {strides = array<i32>} : memref<2x4x128xi32, #tpu.memory_space<vmem>>, vector<1x1x16xi32>,
        %get3A_812 = arith.index_cast %add3A_715 : i32 to index
        %get3A_813 = arith.constant 128 : index
        %get3A_814 = tpu.vector_load %arg5[%get3A_812, %get3A_813] {strides = array<i32>} : memref<50x512xi32, #tpu.memory_space<vmem>>, vector<1x16xi32>,
        %get3A_815 = vector.shape_cast %get3A_814 : vector<1x16xi32> to vector<16xi32>
        %swap3A_816 = arith.constant 1 : i32
        %swap3A_817 = arith.constant 1 : i32
        %swap3A_818 = arith.index_cast %swap3A_816 : i32 to index
        %swap3A_819 = arith.index_cast %swap3A_817 : i32 to index
        %swap3A_820 = arith.constant 0 : index
        %swap3A_821 = tpu.vector_load %arg6[%swap3A_818, %swap3A_819, %swap3A_820] {strides = array<i32>} : memref<2x4x128xi32, #tpu.memory_space<vmem>>, vector<1x1x16xi32>,
        %swap3A_822 = vector.shape_cast %swap3A_821 : vector<1x1x16xi32> to vector<16xi32>
        %swap3A_823 = vector.shape_cast %get3A_815 : vector<16xi32> to vector<1x1x16xi32>
        tpu.vector_store %arg6[%swap3A_818, %swap3A_819, %swap3A_820], %swap3A_823 {strides = array<i32>} : memref<2x4x128xi32, #tpu.memory_space<vmem>>, vector<1x1x16xi32>,
        %get3A_824 = arith.index_cast %add3A_715 : i32 to index
        %get3A_825 = arith.constant 144 : index
        %get3A_826 = tpu.vector_load %arg5[%get3A_824, %get3A_825] {strides = array<i32>} : memref<50x512xi32, #tpu.memory_space<vmem>>, vector<1x16xi32>,
        %get3A_827 = vector.shape_cast %get3A_826 : vector<1x16xi32> to vector<16xi32>
        %swap3A_828 = arith.constant 1 : i32
        %swap3A_829 = arith.constant 1 : i32
        %swap3A_830 = arith.index_cast %swap3A_828 : i32 to index
        %swap3A_831 = arith.index_cast %swap3A_829 : i32 to index
        %swap3A_832 = arith.constant 16 : index
        %swap3A_833 = tpu.vector_load %arg6[%swap3A_830, %swap3A_831, %swap3A_832] {strides = array<i32>} : memref<2x4x128xi32, #tpu.memory_space<vmem>>, vector<1x1x16xi32>,
        %swap3A_834 = vector.shape_cast %swap3A_833 : vector<1x1x16xi32> to vector<16xi32>
        %swap3A_835 = vector.shape_cast %get3A_827 : vector<16xi32> to vector<1x1x16xi32>
        tpu.vector_store %arg6[%swap3A_830, %swap3A_831, %swap3A_832], %swap3A_835 {strides = array<i32>} : memref<2x4x128xi32, #tpu.memory_space<vmem>>, vector<1x1x16xi32>,
        %get3A_836 = arith.index_cast %add3A_715 : i32 to index
        %get3A_837 = arith.constant 160 : index
        %get3A_838 = tpu.vector_load %arg5[%get3A_836, %get3A_837] {strides = array<i32>} : memref<50x512xi32, #tpu.memory_space<vmem>>, vector<1x16xi32>,
        %get3A_839 = vector.shape_cast %get3A_838 : vector<1x16xi32> to vector<16xi32>
        %swap3A_840 = arith.constant 1 : i32
        %swap3A_841 = arith.constant 1 : i32
        %swap3A_842 = arith.index_cast %swap3A_840 : i32 to index
        %swap3A_843 = arith.index_cast %swap3A_841 : i32 to index
        %swap3A_844 = arith.constant 32 : index
        %swap3A_845 = tpu.vector_load %arg6[%swap3A_842, %swap3A_843, %swap3A_844] {strides = array<i32>} : memref<2x4x128xi32, #tpu.memory_space<vmem>>, vector<1x1x16xi32>,
        %swap3A_846 = vector.shape_cast %swap3A_845 : vector<1x1x16xi32> to vector<16xi32>
        %swap3A_847 = vector.shape_cast %get3A_839 : vector<16xi32> to vector<1x1x16xi32>
        tpu.vector_store %arg6[%swap3A_842, %swap3A_843, %swap3A_844], %swap3A_847 {strides = array<i32>} : memref<2x4x128xi32, #tpu.memory_space<vmem>>, vector<1x1x16xi32>,
        %get3A_848 = arith.index_cast %add3A_715 : i32 to index
        %get3A_849 = arith.constant 176 : index
        %get3A_850 = tpu.vector_load %arg5[%get3A_848, %get3A_849] {strides = array<i32>} : memref<50x512xi32, #tpu.memory_space<vmem>>, vector<1x16xi32>,
        %get3A_851 = vector.shape_cast %get3A_850 : vector<1x16xi32> to vector<16xi32>
        %swap3A_852 = arith.constant 1 : i32
        %swap3A_853 = arith.constant 1 : i32
        %swap3A_854 = arith.index_cast %swap3A_852 : i32 to index
        %swap3A_855 = arith.index_cast %swap3A_853 : i32 to index
        %swap3A_856 = arith.constant 48 : index
        %swap3A_857 = tpu.vector_load %arg6[%swap3A_854, %swap3A_855, %swap3A_856] {strides = array<i32>} : memref<2x4x128xi32, #tpu.memory_space<vmem>>, vector<1x1x16xi32>,
        %swap3A_858 = vector.shape_cast %swap3A_857 : vector<1x1x16xi32> to vector<16xi32>
        %swap3A_859 = vector.shape_cast %get3A_851 : vector<16xi32> to vector<1x1x16xi32>
        tpu.vector_store %arg6[%swap3A_854, %swap3A_855, %swap3A_856], %swap3A_859 {strides = array<i32>} : memref<2x4x128xi32, #tpu.memory_space<vmem>>, vector<1x1x16xi32>,
        %get3A_860 = arith.index_cast %add3A_715 : i32 to index
        %get3A_861 = arith.constant 192 : index
        %get3A_862 = tpu.vector_load %arg5[%get3A_860, %get3A_861] {strides = array<i32>} : memref<50x512xi32, #tpu.memory_space<vmem>>, vector<1x16xi32>,
        %get3A_863 = vector.shape_cast %get3A_862 : vector<1x16xi32> to vector<16xi32>
        %swap3A_864 = arith.constant 1 : i32
        %swap3A_865 = arith.constant 1 : i32
        %swap3A_866 = arith.index_cast %swap3A_864 : i32 to index
        %swap3A_867 = arith.index_cast %swap3A_865 : i32 to index
        %swap3A_868 = arith.constant 64 : index
        %swap3A_869 = tpu.vector_load %arg6[%swap3A_866, %swap3A_867, %swap3A_868] {strides = array<i32>} : memref<2x4x128xi32, #tpu.memory_space<vmem>>, vector<1x1x16xi32>,
        %swap3A_870 = vector.shape_cast %swap3A_869 : vector<1x1x16xi32> to vector<16xi32>
        %swap3A_871 = vector.shape_cast %get3A_863 : vector<16xi32> to vector<1x1x16xi32>
        tpu.vector_store %arg6[%swap3A_866, %swap3A_867, %swap3A_868], %swap3A_871 {strides = array<i32>} : memref<2x4x128xi32, #tpu.memory_space<vmem>>, vector<1x1x16xi32>,
        %get3A_872 = arith.index_cast %add3A_715 : i32 to index
        %get3A_873 = arith.constant 208 : index
        %get3A_874 = tpu.vector_load %arg5[%get3A_872, %get3A_873] {strides = array<i32>} : memref<50x512xi32, #tpu.memory_space<vmem>>, vector<1x16xi32>,
        %get3A_875 = vector.shape_cast %get3A_874 : vector<1x16xi32> to vector<16xi32>
        %swap3A_876 = arith.constant 1 : i32
        %swap3A_877 = arith.constant 1 : i32
        %swap3A_878 = arith.index_cast %swap3A_876 : i32 to index
        %swap3A_879 = arith.index_cast %swap3A_877 : i32 to index
        %swap3A_880 = arith.constant 80 : index
        %swap3A_881 = tpu.vector_load %arg6[%swap3A_878, %swap3A_879, %swap3A_880] {strides = array<i32>} : memref<2x4x128xi32, #tpu.memory_space<vmem>>, vector<1x1x16xi32>,
        %swap3A_882 = vector.shape_cast %swap3A_881 : vector<1x1x16xi32> to vector<16xi32>
        %swap3A_883 = vector.shape_cast %get3A_875 : vector<16xi32> to vector<1x1x16xi32>
        tpu.vector_store %arg6[%swap3A_878, %swap3A_879, %swap3A_880], %swap3A_883 {strides = array<i32>} : memref<2x4x128xi32, #tpu.memory_space<vmem>>, vector<1x1x16xi32>,
        %get3A_884 = arith.index_cast %add3A_715 : i32 to index
        %get3A_885 = arith.constant 224 : index
        %get3A_886 = tpu.vector_load %arg5[%get3A_884, %get3A_885] {strides = array<i32>} : memref<50x512xi32, #tpu.memory_space<vmem>>, vector<1x16xi32>,
        %get3A_887 = vector.shape_cast %get3A_886 : vector<1x16xi32> to vector<16xi32>
        %swap3A_888 = arith.constant 1 : i32
        %swap3A_889 = arith.constant 1 : i32
        %swap3A_890 = arith.index_cast %swap3A_888 : i32 to index
        %swap3A_891 = arith.index_cast %swap3A_889 : i32 to index
        %swap3A_892 = arith.constant 96 : index
        %swap3A_893 = tpu.vector_load %arg6[%swap3A_890, %swap3A_891, %swap3A_892] {strides = array<i32>} : memref<2x4x128xi32, #tpu.memory_space<vmem>>, vector<1x1x16xi32>,
        %swap3A_894 = vector.shape_cast %swap3A_893 : vector<1x1x16xi32> to vector<16xi32>
        %swap3A_895 = vector.shape_cast %get3A_887 : vector<16xi32> to vector<1x1x16xi32>
        tpu.vector_store %arg6[%swap3A_890, %swap3A_891, %swap3A_892], %swap3A_895 {strides = array<i32>} : memref<2x4x128xi32, #tpu.memory_space<vmem>>, vector<1x1x16xi32>,
        %get3A_896 = arith.index_cast %add3A_715 : i32 to index
        %get3A_897 = arith.constant 240 : index
        %get3A_898 = tpu.vector_load %arg5[%get3A_896, %get3A_897] {strides = array<i32>} : memref<50x512xi32, #tpu.memory_space<vmem>>, vector<1x16xi32>,
        %get3A_899 = vector.shape_cast %get3A_898 : vector<1x16xi32> to vector<16xi32>
        %swap3A_900 = arith.constant 1 : i32
        %swap3A_901 = arith.constant 1 : i32
        %swap3A_902 = arith.index_cast %swap3A_900 : i32 to index
        %swap3A_903 = arith.index_cast %swap3A_901 : i32 to index
        %swap3A_904 = arith.constant 112 : index
        %swap3A_905 = tpu.vector_load %arg6[%swap3A_902, %swap3A_903, %swap3A_904] {strides = array<i32>} : memref<2x4x128xi32, #tpu.memory_space<vmem>>, vector<1x1x16xi32>,
        %swap3A_906 = vector.shape_cast %swap3A_905 : vector<1x1x16xi32> to vector<16xi32>
        %swap3A_907 = vector.shape_cast %get3A_899 : vector<16xi32> to vector<1x1x16xi32>
        tpu.vector_store %arg6[%swap3A_902, %swap3A_903, %swap3A_904], %swap3A_907 {strides = array<i32>} : memref<2x4x128xi32, #tpu.memory_space<vmem>>, vector<1x1x16xi32>,
        %get3A_908 = arith.index_cast %add3A_715 : i32 to index
        %get3A_909 = arith.constant 256 : index
        %get3A_910 = tpu.vector_load %arg5[%get3A_908, %get3A_909] {strides = array<i32>} : memref<50x512xi32, #tpu.memory_space<vmem>>, vector<1x16xi32>,
        %get3A_911 = vector.shape_cast %get3A_910 : vector<1x16xi32> to vector<16xi32>
        %swap3A_912 = arith.constant 1 : i32
        %swap3A_913 = arith.constant 2 : i32
        %swap3A_914 = arith.index_cast %swap3A_912 : i32 to index
        %swap3A_915 = arith.index_cast %swap3A_913 : i32 to index
        %swap3A_916 = arith.constant 0 : index
        %swap3A_917 = tpu.vector_load %arg6[%swap3A_914, %swap3A_915, %swap3A_916] {strides = array<i32>} : memref<2x4x128xi32, #tpu.memory_space<vmem>>, vector<1x1x16xi32>,
        %swap3A_918 = vector.shape_cast %swap3A_917 : vector<1x1x16xi32> to vector<16xi32>
        %swap3A_919 = vector.shape_cast %get3A_911 : vector<16xi32> to vector<1x1x16xi32>
        tpu.vector_store %arg6[%swap3A_914, %swap3A_915, %swap3A_916], %swap3A_919 {strides = array<i32>} : memref<2x4x128xi32, #tpu.memory_space<vmem>>, vector<1x1x16xi32>,
        %get3A_920 = arith.index_cast %add3A_715 : i32 to index
        %get3A_921 = arith.constant 272 : index
        %get3A_922 = tpu.vector_load %arg5[%get3A_920, %get3A_921] {strides = array<i32>} : memref<50x512xi32, #tpu.memory_space<vmem>>, vector<1x16xi32>,
        %get3A_923 = vector.shape_cast %get3A_922 : vector<1x16xi32> to vector<16xi32>
        %swap3A_924 = arith.constant 1 : i32
        %swap3A_925 = arith.constant 2 : i32
        %swap3A_926 = arith.index_cast %swap3A_924 : i32 to index
        %swap3A_927 = arith.index_cast %swap3A_925 : i32 to index
        %swap3A_928 = arith.constant 16 : index
        %swap3A_929 = tpu.vector_load %arg6[%swap3A_926, %swap3A_927, %swap3A_928] {strides = array<i32>} : memref<2x4x128xi32, #tpu.memory_space<vmem>>, vector<1x1x16xi32>,
        %swap3A_930 = vector.shape_cast %swap3A_929 : vector<1x1x16xi32> to vector<16xi32>
        %swap3A_931 = vector.shape_cast %get3A_923 : vector<16xi32> to vector<1x1x16xi32>
        tpu.vector_store %arg6[%swap3A_926, %swap3A_927, %swap3A_928], %swap3A_931 {strides = array<i32>} : memref<2x4x128xi32, #tpu.memory_space<vmem>>, vector<1x1x16xi32>,
        %get3A_932 = arith.index_cast %add3A_715 : i32 to index
        %get3A_933 = arith.constant 288 : index
        %get3A_934 = tpu.vector_load %arg5[%get3A_932, %get3A_933] {strides = array<i32>} : memref<50x512xi32, #tpu.memory_space<vmem>>, vector<1x16xi32>,
        %get3A_935 = vector.shape_cast %get3A_934 : vector<1x16xi32> to vector<16xi32>
        %swap3A_936 = arith.constant 1 : i32
        %swap3A_937 = arith.constant 2 : i32
        %swap3A_938 = arith.index_cast %swap3A_936 : i32 to index
        %swap3A_939 = arith.index_cast %swap3A_937 : i32 to index
        %swap3A_940 = arith.constant 32 : index
        %swap3A_941 = tpu.vector_load %arg6[%swap3A_938, %swap3A_939, %swap3A_940] {strides = array<i32>} : memref<2x4x128xi32, #tpu.memory_space<vmem>>, vector<1x1x16xi32>,
        %swap3A_942 = vector.shape_cast %swap3A_941 : vector<1x1x16xi32> to vector<16xi32>
        %swap3A_943 = vector.shape_cast %get3A_935 : vector<16xi32> to vector<1x1x16xi32>
        tpu.vector_store %arg6[%swap3A_938, %swap3A_939, %swap3A_940], %swap3A_943 {strides = array<i32>} : memref<2x4x128xi32, #tpu.memory_space<vmem>>, vector<1x1x16xi32>,
        %get3A_944 = arith.index_cast %add3A_715 : i32 to index
        %get3A_945 = arith.constant 304 : index
        %get3A_946 = tpu.vector_load %arg5[%get3A_944, %get3A_945] {strides = array<i32>} : memref<50x512xi32, #tpu.memory_space<vmem>>, vector<1x16xi32>,
        %get3A_947 = vector.shape_cast %get3A_946 : vector<1x16xi32> to vector<16xi32>
        %swap3A_948 = arith.constant 1 : i32
        %swap3A_949 = arith.constant 2 : i32
        %swap3A_950 = arith.index_cast %swap3A_948 : i32 to index
        %swap3A_951 = arith.index_cast %swap3A_949 : i32 to index
        %swap3A_952 = arith.constant 48 : index
        %swap3A_953 = tpu.vector_load %arg6[%swap3A_950, %swap3A_951, %swap3A_952] {strides = array<i32>} : memref<2x4x128xi32, #tpu.memory_space<vmem>>, vector<1x1x16xi32>,
        %swap3A_954 = vector.shape_cast %swap3A_953 : vector<1x1x16xi32> to vector<16xi32>
        %swap3A_955 = vector.shape_cast %get3A_947 : vector<16xi32> to vector<1x1x16xi32>
        tpu.vector_store %arg6[%swap3A_950, %swap3A_951, %swap3A_952], %swap3A_955 {strides = array<i32>} : memref<2x4x128xi32, #tpu.memory_space<vmem>>, vector<1x1x16xi32>,
        %get3A_956 = arith.index_cast %add3A_715 : i32 to index
        %get3A_957 = arith.constant 320 : index
        %get3A_958 = tpu.vector_load %arg5[%get3A_956, %get3A_957] {strides = array<i32>} : memref<50x512xi32, #tpu.memory_space<vmem>>, vector<1x16xi32>,
        %get3A_959 = vector.shape_cast %get3A_958 : vector<1x16xi32> to vector<16xi32>
        %swap3A_960 = arith.constant 1 : i32
        %swap3A_961 = arith.constant 2 : i32
        %swap3A_962 = arith.index_cast %swap3A_960 : i32 to index
        %swap3A_963 = arith.index_cast %swap3A_961 : i32 to index
        %swap3A_964 = arith.constant 64 : index
        %swap3A_965 = tpu.vector_load %arg6[%swap3A_962, %swap3A_963, %swap3A_964] {strides = array<i32>} : memref<2x4x128xi32, #tpu.memory_space<vmem>>, vector<1x1x16xi32>,
        %swap3A_966 = vector.shape_cast %swap3A_965 : vector<1x1x16xi32> to vector<16xi32>
        %swap3A_967 = vector.shape_cast %get3A_959 : vector<16xi32> to vector<1x1x16xi32>
        tpu.vector_store %arg6[%swap3A_962, %swap3A_963, %swap3A_964], %swap3A_967 {strides = array<i32>} : memref<2x4x128xi32, #tpu.memory_space<vmem>>, vector<1x1x16xi32>,
        %get3A_968 = arith.index_cast %add3A_715 : i32 to index
        %get3A_969 = arith.constant 336 : index
        %get3A_970 = tpu.vector_load %arg5[%get3A_968, %get3A_969] {strides = array<i32>} : memref<50x512xi32, #tpu.memory_space<vmem>>, vector<1x16xi32>,
        %get3A_971 = vector.shape_cast %get3A_970 : vector<1x16xi32> to vector<16xi32>
        %swap3A_972 = arith.constant 1 : i32
        %swap3A_973 = arith.constant 2 : i32
        %swap3A_974 = arith.index_cast %swap3A_972 : i32 to index
        %swap3A_975 = arith.index_cast %swap3A_973 : i32 to index
        %swap3A_976 = arith.constant 80 : index
        %swap3A_977 = tpu.vector_load %arg6[%swap3A_974, %swap3A_975, %swap3A_976] {strides = array<i32>} : memref<2x4x128xi32, #tpu.memory_space<vmem>>, vector<1x1x16xi32>,
        %swap3A_978 = vector.shape_cast %swap3A_977 : vector<1x1x16xi32> to vector<16xi32>
        %swap3A_979 = vector.shape_cast %get3A_971 : vector<16xi32> to vector<1x1x16xi32>
        tpu.vector_store %arg6[%swap3A_974, %swap3A_975, %swap3A_976], %swap3A_979 {strides = array<i32>} : memref<2x4x128xi32, #tpu.memory_space<vmem>>, vector<1x1x16xi32>,
        %get3A_980 = arith.index_cast %add3A_715 : i32 to index
        %get3A_981 = arith.constant 352 : index
        %get3A_982 = tpu.vector_load %arg5[%get3A_980, %get3A_981] {strides = array<i32>} : memref<50x512xi32, #tpu.memory_space<vmem>>, vector<1x16xi32>,
        %get3A_983 = vector.shape_cast %get3A_982 : vector<1x16xi32> to vector<16xi32>
        %swap3A_984 = arith.constant 1 : i32
        %swap3A_985 = arith.constant 2 : i32
        %swap3A_986 = arith.index_cast %swap3A_984 : i32 to index
        %swap3A_987 = arith.index_cast %swap3A_985 : i32 to index
        %swap3A_988 = arith.constant 96 : index
        %swap3A_989 = tpu.vector_load %arg6[%swap3A_986, %swap3A_987, %swap3A_988] {strides = array<i32>} : memref<2x4x128xi32, #tpu.memory_space<vmem>>, vector<1x1x16xi32>,
        %swap3A_990 = vector.shape_cast %swap3A_989 : vector<1x1x16xi32> to vector<16xi32>
        %swap3A_991 = vector.shape_cast %get3A_983 : vector<16xi32> to vector<1x1x16xi32>
        tpu.vector_store %arg6[%swap3A_986, %swap3A_987, %swap3A_988], %swap3A_991 {strides = array<i32>} : memref<2x4x128xi32, #tpu.memory_space<vmem>>, vector<1x1x16xi32>,
        %get3A_992 = arith.index_cast %add3A_715 : i32 to index
        %get3A_993 = arith.constant 368 : index
        %get3A_994 = tpu.vector_load %arg5[%get3A_992, %get3A_993] {strides = array<i32>} : memref<50x512xi32, #tpu.memory_space<vmem>>, vector<1x16xi32>,
        %get3A_995 = vector.shape_cast %get3A_994 : vector<1x16xi32> to vector<16xi32>
        %swap3A_996 = arith.constant 1 : i32
        %swap3A_997 = arith.constant 2 : i32
        %swap3A_998 = arith.index_cast %swap3A_996 : i32 to index
        %swap3A_999 = arith.index_cast %swap3A_997 : i32 to index
        %swap3A_1000 = arith.constant 112 : index
        %swap3A_1001 = tpu.vector_load %arg6[%swap3A_998, %swap3A_999, %swap3A_1000] {strides = array<i32>} : memref<2x4x128xi32, #tpu.memory_space<vmem>>, vector<1x1x16xi32>,
        %swap3A_1002 = vector.shape_cast %swap3A_1001 : vector<1x1x16xi32> to vector<16xi32>
        %swap3A_1003 = vector.shape_cast %get3A_995 : vector<16xi32> to vector<1x1x16xi32>
        tpu.vector_store %arg6[%swap3A_998, %swap3A_999, %swap3A_1000], %swap3A_1003 {strides = array<i32>} : memref<2x4x128xi32, #tpu.memory_space<vmem>>, vector<1x1x16xi32>,
        %get3A_1004 = arith.index_cast %add3A_715 : i32 to index
        %get3A_1005 = arith.constant 384 : index
        %get3A_1006 = tpu.vector_load %arg5[%get3A_1004, %get3A_1005] {strides = array<i32>} : memref<50x512xi32, #tpu.memory_space<vmem>>, vector<1x16xi32>,
        %get3A_1007 = vector.shape_cast %get3A_1006 : vector<1x16xi32> to vector<16xi32>
        %swap3A_1008 = arith.constant 1 : i32
        %swap3A_1009 = arith.constant 3 : i32
        %swap3A_1010 = arith.index_cast %swap3A_1008 : i32 to index
        %swap3A_1011 = arith.index_cast %swap3A_1009 : i32 to index
        %swap3A_1012 = arith.constant 0 : index
        %swap3A_1013 = tpu.vector_load %arg6[%swap3A_1010, %swap3A_1011, %swap3A_1012] {strides = array<i32>} : memref<2x4x128xi32, #tpu.memory_space<vmem>>, vector<1x1x16xi32>,
        %swap3A_1014 = vector.shape_cast %swap3A_1013 : vector<1x1x16xi32> to vector<16xi32>
        %swap3A_1015 = vector.shape_cast %get3A_1007 : vector<16xi32> to vector<1x1x16xi32>
        tpu.vector_store %arg6[%swap3A_1010, %swap3A_1011, %swap3A_1012], %swap3A_1015 {strides = array<i32>} : memref<2x4x128xi32, #tpu.memory_space<vmem>>, vector<1x1x16xi32>,
        %get3A_1016 = arith.index_cast %add3A_715 : i32 to index
        %get3A_1017 = arith.constant 400 : index
        %get3A_1018 = tpu.vector_load %arg5[%get3A_1016, %get3A_1017] {strides = array<i32>} : memref<50x512xi32, #tpu.memory_space<vmem>>, vector<1x16xi32>,
        %get3A_1019 = vector.shape_cast %get3A_1018 : vector<1x16xi32> to vector<16xi32>
        %swap3A_1020 = arith.constant 1 : i32
        %swap3A_1021 = arith.constant 3 : i32
        %swap3A_1022 = arith.index_cast %swap3A_1020 : i32 to index
        %swap3A_1023 = arith.index_cast %swap3A_1021 : i32 to index
        %swap3A_1024 = arith.constant 16 : index
        %swap3A_1025 = tpu.vector_load %arg6[%swap3A_1022, %swap3A_1023, %swap3A_1024] {strides = array<i32>} : memref<2x4x128xi32, #tpu.memory_space<vmem>>, vector<1x1x16xi32>,
        %swap3A_1026 = vector.shape_cast %swap3A_1025 : vector<1x1x16xi32> to vector<16xi32>
        %swap3A_1027 = vector.shape_cast %get3A_1019 : vector<16xi32> to vector<1x1x16xi32>
        tpu.vector_store %arg6[%swap3A_1022, %swap3A_1023, %swap3A_1024], %swap3A_1027 {strides = array<i32>} : memref<2x4x128xi32, #tpu.memory_space<vmem>>, vector<1x1x16xi32>,
        %get3A_1028 = arith.index_cast %add3A_715 : i32 to index
        %get3A_1029 = arith.constant 416 : index
        %get3A_1030 = tpu.vector_load %arg5[%get3A_1028, %get3A_1029] {strides = array<i32>} : memref<50x512xi32, #tpu.memory_space<vmem>>, vector<1x16xi32>,
        %get3A_1031 = vector.shape_cast %get3A_1030 : vector<1x16xi32> to vector<16xi32>
        %swap3A_1032 = arith.constant 1 : i32
        %swap3A_1033 = arith.constant 3 : i32
        %swap3A_1034 = arith.index_cast %swap3A_1032 : i32 to index
        %swap3A_1035 = arith.index_cast %swap3A_1033 : i32 to index
        %swap3A_1036 = arith.constant 32 : index
        %swap3A_1037 = tpu.vector_load %arg6[%swap3A_1034, %swap3A_1035, %swap3A_1036] {strides = array<i32>} : memref<2x4x128xi32, #tpu.memory_space<vmem>>, vector<1x1x16xi32>,
        %swap3A_1038 = vector.shape_cast %swap3A_1037 : vector<1x1x16xi32> to vector<16xi32>
        %swap3A_1039 = vector.shape_cast %get3A_1031 : vector<16xi32> to vector<1x1x16xi32>
        tpu.vector_store %arg6[%swap3A_1034, %swap3A_1035, %swap3A_1036], %swap3A_1039 {strides = array<i32>} : memref<2x4x128xi32, #tpu.memory_space<vmem>>, vector<1x1x16xi32>,
        %get3A_1040 = arith.index_cast %add3A_715 : i32 to index
        %get3A_1041 = arith.constant 432 : index
        %get3A_1042 = tpu.vector_load %arg5[%get3A_1040, %get3A_1041] {strides = array<i32>} : memref<50x512xi32, #tpu.memory_space<vmem>>, vector<1x16xi32>,
        %get3A_1043 = vector.shape_cast %get3A_1042 : vector<1x16xi32> to vector<16xi32>
        %swap3A_1044 = arith.constant 1 : i32
        %swap3A_1045 = arith.constant 3 : i32
        %swap3A_1046 = arith.index_cast %swap3A_1044 : i32 to index
        %swap3A_1047 = arith.index_cast %swap3A_1045 : i32 to index
        %swap3A_1048 = arith.constant 48 : index
        %swap3A_1049 = tpu.vector_load %arg6[%swap3A_1046, %swap3A_1047, %swap3A_1048] {strides = array<i32>} : memref<2x4x128xi32, #tpu.memory_space<vmem>>, vector<1x1x16xi32>,
        %swap3A_1050 = vector.shape_cast %swap3A_1049 : vector<1x1x16xi32> to vector<16xi32>
        %swap3A_1051 = vector.shape_cast %get3A_1043 : vector<16xi32> to vector<1x1x16xi32>
        tpu.vector_store %arg6[%swap3A_1046, %swap3A_1047, %swap3A_1048], %swap3A_1051 {strides = array<i32>} : memref<2x4x128xi32, #tpu.memory_space<vmem>>, vector<1x1x16xi32>,
        %get3A_1052 = arith.index_cast %add3A_715 : i32 to index
        %get3A_1053 = arith.constant 448 : index
        %get3A_1054 = tpu.vector_load %arg5[%get3A_1052, %get3A_1053] {strides = array<i32>} : memref<50x512xi32, #tpu.memory_space<vmem>>, vector<1x16xi32>,
        %get3A_1055 = vector.shape_cast %get3A_1054 : vector<1x16xi32> to vector<16xi32>
        %swap3A_1056 = arith.constant 1 : i32
        %swap3A_1057 = arith.constant 3 : i32
        %swap3A_1058 = arith.index_cast %swap3A_1056 : i32 to index
        %swap3A_1059 = arith.index_cast %swap3A_1057 : i32 to index
        %swap3A_1060 = arith.constant 64 : index
        %swap3A_1061 = tpu.vector_load %arg6[%swap3A_1058, %swap3A_1059, %swap3A_1060] {strides = array<i32>} : memref<2x4x128xi32, #tpu.memory_space<vmem>>, vector<1x1x16xi32>,
        %swap3A_1062 = vector.shape_cast %swap3A_1061 : vector<1x1x16xi32> to vector<16xi32>
        %swap3A_1063 = vector.shape_cast %get3A_1055 : vector<16xi32> to vector<1x1x16xi32>
        tpu.vector_store %arg6[%swap3A_1058, %swap3A_1059, %swap3A_1060], %swap3A_1063 {strides = array<i32>} : memref<2x4x128xi32, #tpu.memory_space<vmem>>, vector<1x1x16xi32>,
        %get3A_1064 = arith.index_cast %add3A_715 : i32 to index
        %get3A_1065 = arith.constant 464 : index
        %get3A_1066 = tpu.vector_load %arg5[%get3A_1064, %get3A_1065] {strides = array<i32>} : memref<50x512xi32, #tpu.memory_space<vmem>>, vector<1x16xi32>,
        %get3A_1067 = vector.shape_cast %get3A_1066 : vector<1x16xi32> to vector<16xi32>
        %swap3A_1068 = arith.constant 1 : i32
        %swap3A_1069 = arith.constant 3 : i32
        %swap3A_1070 = arith.index_cast %swap3A_1068 : i32 to index
        %swap3A_1071 = arith.index_cast %swap3A_1069 : i32 to index
        %swap3A_1072 = arith.constant 80 : index
        %swap3A_1073 = tpu.vector_load %arg6[%swap3A_1070, %swap3A_1071, %swap3A_1072] {strides = array<i32>} : memref<2x4x128xi32, #tpu.memory_space<vmem>>, vector<1x1x16xi32>,
        %swap3A_1074 = vector.shape_cast %swap3A_1073 : vector<1x1x16xi32> to vector<16xi32>
        %swap3A_1075 = vector.shape_cast %get3A_1067 : vector<16xi32> to vector<1x1x16xi32>
        tpu.vector_store %arg6[%swap3A_1070, %swap3A_1071, %swap3A_1072], %swap3A_1075 {strides = array<i32>} : memref<2x4x128xi32, #tpu.memory_space<vmem>>, vector<1x1x16xi32>,
        %get3A_1076 = arith.index_cast %add3A_715 : i32 to index
        %get3A_1077 = arith.constant 480 : index
        %get3A_1078 = tpu.vector_load %arg5[%get3A_1076, %get3A_1077] {strides = array<i32>} : memref<50x512xi32, #tpu.memory_space<vmem>>, vector<1x16xi32>,
        %get3A_1079 = vector.shape_cast %get3A_1078 : vector<1x16xi32> to vector<16xi32>
        %swap3A_1080 = arith.constant 1 : i32
        %swap3A_1081 = arith.constant 3 : i32
        %swap3A_1082 = arith.index_cast %swap3A_1080 : i32 to index
        %swap3A_1083 = arith.index_cast %swap3A_1081 : i32 to index
        %swap3A_1084 = arith.constant 96 : index
        %swap3A_1085 = tpu.vector_load %arg6[%swap3A_1082, %swap3A_1083, %swap3A_1084] {strides = array<i32>} : memref<2x4x128xi32, #tpu.memory_space<vmem>>, vector<1x1x16xi32>,
        %swap3A_1086 = vector.shape_cast %swap3A_1085 : vector<1x1x16xi32> to vector<16xi32>
        %swap3A_1087 = vector.shape_cast %get3A_1079 : vector<16xi32> to vector<1x1x16xi32>
        tpu.vector_store %arg6[%swap3A_1082, %swap3A_1083, %swap3A_1084], %swap3A_1087 {strides = array<i32>} : memref<2x4x128xi32, #tpu.memory_space<vmem>>, vector<1x1x16xi32>,
        %get3A_1088 = arith.index_cast %add3A_715 : i32 to index
        %get3A_1089 = arith.constant 496 : index
        %get3A_1090 = tpu.vector_load %arg5[%get3A_1088, %get3A_1089] {strides = array<i32>} : memref<50x512xi32, #tpu.memory_space<vmem>>, vector<1x16xi32>,
        %get3A_1091 = vector.shape_cast %get3A_1090 : vector<1x16xi32> to vector<16xi32>
        %swap3A_1092 = arith.constant 1 : i32
        %swap3A_1093 = arith.constant 3 : i32
        %swap3A_1094 = arith.index_cast %swap3A_1092 : i32 to index
        %swap3A_1095 = arith.index_cast %swap3A_1093 : i32 to index
        %swap3A_1096 = arith.constant 112 : index
        %swap3A_1097 = tpu.vector_load %arg6[%swap3A_1094, %swap3A_1095, %swap3A_1096] {strides = array<i32>} : memref<2x4x128xi32, #tpu.memory_space<vmem>>, vector<1x1x16xi32>,
        %swap3A_1098 = vector.shape_cast %swap3A_1097 : vector<1x1x16xi32> to vector<16xi32>
        %swap3A_1099 = vector.shape_cast %get3A_1091 : vector<16xi32> to vector<1x1x16xi32>
        tpu.vector_store %arg6[%swap3A_1094, %swap3A_1095, %swap3A_1096], %swap3A_1099 {strides = array<i32>} : memref<2x4x128xi32, #tpu.memory_space<vmem>>, vector<1x1x16xi32>,
        %dma_start3A_1100 = arith.constant 1 : i32
        %dma_start3A_1101 = arith.constant 0 : i32
        %dma_start3A_1102 = arith.constant 1 : i32
        %dma_start3A_1103 = arith.constant 0 : i32
        %dma_start3A_1104 = arith.constant 0 : i32
        %dma_start3A_1105 = arith.constant 0 : i32
        %dma_start3A_1106 = tpu.memref_slice %arg7[%dma_start3A_1102, %dma_start3A_1103, %dma_start3A_1104, %dma_start3A_1105] : memref<2x4x128x64xf32, #tpu.memory_space<vmem>> -> memref<1x1x128x64xf32, #tpu.memory_space<vmem>>
        %dma_start3A_1107 = tpu.memref_squeeze %dma_start3A_1106 : memref<1x1x128x64xf32, #tpu.memory_space<vmem>> -> memref<128x64xf32, #tpu.memory_space<vmem>>
        %dma_start3A_1108 = arith.constant 0 : i32
        %dma_start3A_1109 = tpu.memref_slice %arg6[%dma_start3A_1100, %dma_start3A_1101, %dma_start3A_1108] : memref<2x4x128xi32, #tpu.memory_space<vmem>> -> memref<1x1x128xi32, #tpu.memory_space<vmem>>
        %dma_start3A_1110 = tpu.memref_squeeze %dma_start3A_1109 : memref<1x1x128xi32, #tpu.memory_space<vmem>> -> memref<128xi32, #tpu.memory_space<vmem>>
        %dma_start3A_1111 = arith.constant 0 : i32
        %dma_start3A_1112 = arith.constant 0 : i32
        %dma_start3A_1113 = tpu.memref_slice %arg3[%dma_start3A_1111, %dma_start3A_1112] : memref<1000000x64xf32, #tpu.memory_space<hbm>> -> memref<1000000x64xf32, #tpu.memory_space<hbm>>
        tpu.enqueue_indirect_dma source(%dma_start3A_1113 : memref<1000000x64xf32, #tpu.memory_space<hbm>>) target(%dma_start3A_1107 : memref<128x64xf32, #tpu.memory_space<vmem>>) offsets(%dma_start3A_1110 : memref<128xi32, #tpu.memory_space<vmem>>) semaphore(%arg9 : memref<!tpu.dma_semaphore, #tpu.memory_space<semaphore_mem>>)
        %dma_start3A_1114 = arith.constant 1 : i32
        %dma_start3A_1115 = arith.constant 1 : i32
        %dma_start3A_1116 = arith.constant 1 : i32
        %dma_start3A_1117 = arith.constant 1 : i32
        %dma_start3A_1118 = arith.constant 0 : i32
        %dma_start3A_1119 = arith.constant 0 : i32
        %dma_start3A_1120 = tpu.memref_slice %arg7[%dma_start3A_1116, %dma_start3A_1117, %dma_start3A_1118, %dma_start3A_1119] : memref<2x4x128x64xf32, #tpu.memory_space<vmem>> -> memref<1x1x128x64xf32, #tpu.memory_space<vmem>>
        %dma_start3A_1121 = tpu.memref_squeeze %dma_start3A_1120 : memref<1x1x128x64xf32, #tpu.memory_space<vmem>> -> memref<128x64xf32, #tpu.memory_space<vmem>>
        %dma_start3A_1122 = arith.constant 0 : i32
        %dma_start3A_1123 = tpu.memref_slice %arg6[%dma_start3A_1114, %dma_start3A_1115, %dma_start3A_1122] : memref<2x4x128xi32, #tpu.memory_space<vmem>> -> memref<1x1x128xi32, #tpu.memory_space<vmem>>
        %dma_start3A_1124 = tpu.memref_squeeze %dma_start3A_1123 : memref<1x1x128xi32, #tpu.memory_space<vmem>> -> memref<128xi32, #tpu.memory_space<vmem>>
        %dma_start3A_1125 = arith.constant 0 : i32
        %dma_start3A_1126 = arith.constant 0 : i32
        %dma_start3A_1127 = tpu.memref_slice %arg3[%dma_start3A_1125, %dma_start3A_1126] : memref<1000000x64xf32, #tpu.memory_space<hbm>> -> memref<1000000x64xf32, #tpu.memory_space<hbm>>
        tpu.enqueue_indirect_dma source(%dma_start3A_1127 : memref<1000000x64xf32, #tpu.memory_space<hbm>>) target(%dma_start3A_1121 : memref<128x64xf32, #tpu.memory_space<vmem>>) offsets(%dma_start3A_1124 : memref<128xi32, #tpu.memory_space<vmem>>) semaphore(%arg9 : memref<!tpu.dma_semaphore, #tpu.memory_space<semaphore_mem>>)
        %dma_start3A_1128 = arith.constant 1 : i32
        %dma_start3A_1129 = arith.constant 2 : i32
        %dma_start3A_1130 = arith.constant 1 : i32
        %dma_start3A_1131 = arith.constant 2 : i32
        %dma_start3A_1132 = arith.constant 0 : i32
        %dma_start3A_1133 = arith.constant 0 : i32
        %dma_start3A_1134 = tpu.memref_slice %arg7[%dma_start3A_1130, %dma_start3A_1131, %dma_start3A_1132, %dma_start3A_1133] : memref<2x4x128x64xf32, #tpu.memory_space<vmem>> -> memref<1x1x128x64xf32, #tpu.memory_space<vmem>>
        %dma_start3A_1135 = tpu.memref_squeeze %dma_start3A_1134 : memref<1x1x128x64xf32, #tpu.memory_space<vmem>> -> memref<128x64xf32, #tpu.memory_space<vmem>>
        %dma_start3A_1136 = arith.constant 0 : i32
        %dma_start3A_1137 = tpu.memref_slice %arg6[%dma_start3A_1128, %dma_start3A_1129, %dma_start3A_1136] : memref<2x4x128xi32, #tpu.memory_space<vmem>> -> memref<1x1x128xi32, #tpu.memory_space<vmem>>
        %dma_start3A_1138 = tpu.memref_squeeze %dma_start3A_1137 : memref<1x1x128xi32, #tpu.memory_space<vmem>> -> memref<128xi32, #tpu.memory_space<vmem>>
        %dma_start3A_1139 = arith.constant 0 : i32
        %dma_start3A_1140 = arith.constant 0 : i32
        %dma_start3A_1141 = tpu.memref_slice %arg3[%dma_start3A_1139, %dma_start3A_1140] : memref<1000000x64xf32, #tpu.memory_space<hbm>> -> memref<1000000x64xf32, #tpu.memory_space<hbm>>
        tpu.enqueue_indirect_dma source(%dma_start3A_1141 : memref<1000000x64xf32, #tpu.memory_space<hbm>>) target(%dma_start3A_1135 : memref<128x64xf32, #tpu.memory_space<vmem>>) offsets(%dma_start3A_1138 : memref<128xi32, #tpu.memory_space<vmem>>) semaphore(%arg9 : memref<!tpu.dma_semaphore, #tpu.memory_space<semaphore_mem>>)
        %dma_start3A_1142 = arith.constant 1 : i32
        %dma_start3A_1143 = arith.constant 3 : i32
        %dma_start3A_1144 = arith.constant 1 : i32
        %dma_start3A_1145 = arith.constant 3 : i32
        %dma_start3A_1146 = arith.constant 0 : i32
        %dma_start3A_1147 = arith.constant 0 : i32
        %dma_start3A_1148 = tpu.memref_slice %arg7[%dma_start3A_1144, %dma_start3A_1145, %dma_start3A_1146, %dma_start3A_1147] : memref<2x4x128x64xf32, #tpu.memory_space<vmem>> -> memref<1x1x128x64xf32, #tpu.memory_space<vmem>>
        %dma_start3A_1149 = tpu.memref_squeeze %dma_start3A_1148 : memref<1x1x128x64xf32, #tpu.memory_space<vmem>> -> memref<128x64xf32, #tpu.memory_space<vmem>>
        %dma_start3A_1150 = arith.constant 0 : i32
        %dma_start3A_1151 = tpu.memref_slice %arg6[%dma_start3A_1142, %dma_start3A_1143, %dma_start3A_1150] : memref<2x4x128xi32, #tpu.memory_space<vmem>> -> memref<1x1x128xi32, #tpu.memory_space<vmem>>
        %dma_start3A_1152 = tpu.memref_squeeze %dma_start3A_1151 : memref<1x1x128xi32, #tpu.memory_space<vmem>> -> memref<128xi32, #tpu.memory_space<vmem>>
        %dma_start3A_1153 = arith.constant 0 : i32
        %dma_start3A_1154 = arith.constant 0 : i32
        %dma_start3A_1155 = tpu.memref_slice %arg3[%dma_start3A_1153, %dma_start3A_1154] : memref<1000000x64xf32, #tpu.memory_space<hbm>> -> memref<1000000x64xf32, #tpu.memory_space<hbm>>
        tpu.enqueue_indirect_dma source(%dma_start3A_1155 : memref<1000000x64xf32, #tpu.memory_space<hbm>>) target(%dma_start3A_1149 : memref<128x64xf32, #tpu.memory_space<vmem>>) offsets(%dma_start3A_1152 : memref<128xi32, #tpu.memory_space<vmem>>) semaphore(%arg9 : memref<!tpu.dma_semaphore, #tpu.memory_space<semaphore_mem>>)
      } else {
      }
      %dma_wait3A_529 = arith.constant 0 : i32
      %dma_wait3A_530 = arith.constant 0 : i32
      %dma_wait3A_531 = arith.constant 0 : i32
      %dma_wait3A_532 = arith.constant 0 : i32
      %dma_wait3A_533 = tpu.memref_slice %arg7[%dma_wait3A_529, %dma_wait3A_530, %dma_wait3A_531, %dma_wait3A_532] : memref<2x4x128x64xf32, #tpu.memory_space<vmem>> -> memref<1x1x128x64xf32, #tpu.memory_space<vmem>>
      %dma_wait3A_534 = tpu.memref_squeeze %dma_wait3A_533 : memref<1x1x128x64xf32, #tpu.memory_space<vmem>> -> memref<128x64xf32, #tpu.memory_space<vmem>>
      %dma_wait3A_535 = arith.constant 0 : i32
      %dma_wait3A_536 = arith.constant 0 : i32
      %dma_wait3A_537 = tpu.memref_slice %arg3[%dma_wait3A_535, %dma_wait3A_536] : memref<1000000x64xf32, #tpu.memory_space<hbm>> -> memref<128x64xf32, #tpu.memory_space<hbm>>
      %dma_wait3A_538 = arith.constant 0 : i32
      %dma_wait3A_539 = arith.constant 0 : i32
      %dma_wait3A_540 = tpu.memref_slice %arg7[%dma_wait3A_529, %dma_wait3A_530, %dma_wait3A_538, %dma_wait3A_539] : memref<2x4x128x64xf32, #tpu.memory_space<vmem>> -> memref<1x1x128x64xf32, #tpu.memory_space<vmem>>
      %dma_wait3A_541 = tpu.memref_squeeze %dma_wait3A_540 : memref<1x1x128x64xf32, #tpu.memory_space<vmem>> -> memref<128x64xf32, #tpu.memory_space<vmem>>
      %dma_wait3A_542 = arith.constant 0 : i32
      %dma_wait3A_543 = arith.constant 0 : i32
      %dma_wait3A_544 = tpu.memref_slice %arg3[%dma_wait3A_542, %dma_wait3A_543] : memref<1000000x64xf32, #tpu.memory_space<hbm>> -> memref<128x64xf32, #tpu.memory_space<hbm>>
      tpu.wait_dma2 semaphore(%arg8 : memref<!tpu.dma_semaphore, #tpu.memory_space<semaphore_mem>>) src(%dma_wait3A_544 : memref<128x64xf32, #tpu.memory_space<hbm>>) dst(%dma_wait3A_541 : memref<128x64xf32, #tpu.memory_space<vmem>>)
      %dma_wait3A_545 = arith.constant 0 : i32
      %dma_wait3A_546 = arith.constant 1 : i32
      %dma_wait3A_547 = arith.constant 0 : i32
      %dma_wait3A_548 = arith.constant 0 : i32
      %dma_wait3A_549 = tpu.memref_slice %arg7[%dma_wait3A_545, %dma_wait3A_546, %dma_wait3A_547, %dma_wait3A_548] : memref<2x4x128x64xf32, #tpu.memory_space<vmem>> -> memref<1x1x128x64xf32, #tpu.memory_space<vmem>>
      %dma_wait3A_550 = tpu.memref_squeeze %dma_wait3A_549 : memref<1x1x128x64xf32, #tpu.memory_space<vmem>> -> memref<128x64xf32, #tpu.memory_space<vmem>>
      %dma_wait3A_551 = arith.constant 0 : i32
      %dma_wait3A_552 = arith.constant 0 : i32
      %dma_wait3A_553 = tpu.memref_slice %arg3[%dma_wait3A_551, %dma_wait3A_552] : memref<1000000x64xf32, #tpu.memory_space<hbm>> -> memref<128x64xf32, #tpu.memory_space<hbm>>
      %dma_wait3A_554 = arith.constant 0 : i32
      %dma_wait3A_555 = arith.constant 0 : i32
      %dma_wait3A_556 = tpu.memref_slice %arg7[%dma_wait3A_545, %dma_wait3A_546, %dma_wait3A_554, %dma_wait3A_555] : memref<2x4x128x64xf32, #tpu.memory_space<vmem>> -> memref<1x1x128x64xf32, #tpu.memory_space<vmem>>
      %dma_wait3A_557 = tpu.memref_squeeze %dma_wait3A_556 : memref<1x1x128x64xf32, #tpu.memory_space<vmem>> -> memref<128x64xf32, #tpu.memory_space<vmem>>
      %dma_wait3A_558 = arith.constant 0 : i32
      %dma_wait3A_559 = arith.constant 0 : i32
      %dma_wait3A_560 = tpu.memref_slice %arg3[%dma_wait3A_558, %dma_wait3A_559] : memref<1000000x64xf32, #tpu.memory_space<hbm>> -> memref<128x64xf32, #tpu.memory_space<hbm>>
      tpu.wait_dma2 semaphore(%arg8 : memref<!tpu.dma_semaphore, #tpu.memory_space<semaphore_mem>>) src(%dma_wait3A_560 : memref<128x64xf32, #tpu.memory_space<hbm>>) dst(%dma_wait3A_557 : memref<128x64xf32, #tpu.memory_space<vmem>>)
      %dma_wait3A_561 = arith.constant 0 : i32
      %dma_wait3A_562 = arith.constant 2 : i32
      %dma_wait3A_563 = arith.constant 0 : i32
      %dma_wait3A_564 = arith.constant 0 : i32
      %dma_wait3A_565 = tpu.memref_slice %arg7[%dma_wait3A_561, %dma_wait3A_562, %dma_wait3A_563, %dma_wait3A_564] : memref<2x4x128x64xf32, #tpu.memory_space<vmem>> -> memref<1x1x128x64xf32, #tpu.memory_space<vmem>>
      %dma_wait3A_566 = tpu.memref_squeeze %dma_wait3A_565 : memref<1x1x128x64xf32, #tpu.memory_space<vmem>> -> memref<128x64xf32, #tpu.memory_space<vmem>>
      %dma_wait3A_567 = arith.constant 0 : i32
      %dma_wait3A_568 = arith.constant 0 : i32
      %dma_wait3A_569 = tpu.memref_slice %arg3[%dma_wait3A_567, %dma_wait3A_568] : memref<1000000x64xf32, #tpu.memory_space<hbm>> -> memref<128x64xf32, #tpu.memory_space<hbm>>
      %dma_wait3A_570 = arith.constant 0 : i32
      %dma_wait3A_571 = arith.constant 0 : i32
      %dma_wait3A_572 = tpu.memref_slice %arg7[%dma_wait3A_561, %dma_wait3A_562, %dma_wait3A_570, %dma_wait3A_571] : memref<2x4x128x64xf32, #tpu.memory_space<vmem>> -> memref<1x1x128x64xf32, #tpu.memory_space<vmem>>
      %dma_wait3A_573 = tpu.memref_squeeze %dma_wait3A_572 : memref<1x1x128x64xf32, #tpu.memory_space<vmem>> -> memref<128x64xf32, #tpu.memory_space<vmem>>
      %dma_wait3A_574 = arith.constant 0 : i32
      %dma_wait3A_575 = arith.constant 0 : i32
      %dma_wait3A_576 = tpu.memref_slice %arg3[%dma_wait3A_574, %dma_wait3A_575] : memref<1000000x64xf32, #tpu.memory_space<hbm>> -> memref<128x64xf32, #tpu.memory_space<hbm>>
      tpu.wait_dma2 semaphore(%arg8 : memref<!tpu.dma_semaphore, #tpu.memory_space<semaphore_mem>>) src(%dma_wait3A_576 : memref<128x64xf32, #tpu.memory_space<hbm>>) dst(%dma_wait3A_573 : memref<128x64xf32, #tpu.memory_space<vmem>>)
      %dma_wait3A_577 = arith.constant 0 : i32
      %dma_wait3A_578 = arith.constant 3 : i32
      %dma_wait3A_579 = arith.constant 0 : i32
      %dma_wait3A_580 = arith.constant 0 : i32
      %dma_wait3A_581 = tpu.memref_slice %arg7[%dma_wait3A_577, %dma_wait3A_578, %dma_wait3A_579, %dma_wait3A_580] : memref<2x4x128x64xf32, #tpu.memory_space<vmem>> -> memref<1x1x128x64xf32, #tpu.memory_space<vmem>>
      %dma_wait3A_582 = tpu.memref_squeeze %dma_wait3A_581 : memref<1x1x128x64xf32, #tpu.memory_space<vmem>> -> memref<128x64xf32, #tpu.memory_space<vmem>>
      %dma_wait3A_583 = arith.constant 0 : i32
      %dma_wait3A_584 = arith.constant 0 : i32
      %dma_wait3A_585 = tpu.memref_slice %arg3[%dma_wait3A_583, %dma_wait3A_584] : memref<1000000x64xf32, #tpu.memory_space<hbm>> -> memref<128x64xf32, #tpu.memory_space<hbm>>
      %dma_wait3A_586 = arith.constant 0 : i32
      %dma_wait3A_587 = arith.constant 0 : i32
      %dma_wait3A_588 = tpu.memref_slice %arg7[%dma_wait3A_577, %dma_wait3A_578, %dma_wait3A_586, %dma_wait3A_587] : memref<2x4x128x64xf32, #tpu.memory_space<vmem>> -> memref<1x1x128x64xf32, #tpu.memory_space<vmem>>
      %dma_wait3A_589 = tpu.memref_squeeze %dma_wait3A_588 : memref<1x1x128x64xf32, #tpu.memory_space<vmem>> -> memref<128x64xf32, #tpu.memory_space<vmem>>
      %dma_wait3A_590 = arith.constant 0 : i32
      %dma_wait3A_591 = arith.constant 0 : i32
      %dma_wait3A_592 = tpu.memref_slice %arg3[%dma_wait3A_590, %dma_wait3A_591] : memref<1000000x64xf32, #tpu.memory_space<hbm>> -> memref<128x64xf32, #tpu.memory_space<hbm>>
      tpu.wait_dma2 semaphore(%arg8 : memref<!tpu.dma_semaphore, #tpu.memory_space<semaphore_mem>>) src(%dma_wait3A_592 : memref<128x64xf32, #tpu.memory_space<hbm>>) dst(%dma_wait3A_589 : memref<128x64xf32, #tpu.memory_space<vmem>>)
      %dma_start3A_593 = arith.constant 0 : i32
      %dma_start3A_594 = arith.constant 0 : i32
      %dma_start3A_595 = arith.constant 0 : i32
      %dma_start3A_596 = arith.constant 0 : i32
      %dma_start3A_597 = tpu.memref_slice %arg7[%dma_start3A_593, %dma_start3A_594, %dma_start3A_595, %dma_start3A_596] : memref<2x4x128x64xf32, #tpu.memory_space<vmem>> -> memref<1x4x128x64xf32, #tpu.memory_space<vmem>>
      %dma_start3A_598 = tpu.memref_squeeze %dma_start3A_597 : memref<1x4x128x64xf32, #tpu.memory_space<vmem>> -> memref<4x128x64xf32, #tpu.memory_space<vmem>>
      %dma_start3A_599 = arith.constant 0 : i32
      %dma_start3A_600 = arith.constant 0 : i32
      %dma_start3A_601 = arith.constant 0 : i32
      %dma_start3A_602 = tpu.memref_slice %arg4[%add3A, %add3A_524, %dma_start3A_599, %dma_start3A_600, %dma_start3A_601] : memref<32x50x4x128x64xf32, #tpu.memory_space<hbm>> -> memref<1x1x4x128x64xf32, #tpu.memory_space<hbm>>
      %dma_start3A_603 = tpu.memref_squeeze %dma_start3A_602 : memref<1x1x4x128x64xf32, #tpu.memory_space<hbm>> -> memref<4x128x64xf32, #tpu.memory_space<hbm>>
      %dma_start3A_604 = arith.constant 0 : i32
      %dma_start3A_605 = arith.constant 0 : i32
      %dma_start3A_606 = arith.constant 0 : i32
      %dma_start3A_607 = tpu.memref_slice %arg4[%add3A, %add3A_524, %dma_start3A_604, %dma_start3A_605, %dma_start3A_606] : memref<32x50x4x128x64xf32, #tpu.memory_space<hbm>> -> memref<1x1x4x128x64xf32, #tpu.memory_space<hbm>>
      %dma_start3A_608 = tpu.memref_squeeze %dma_start3A_607 : memref<1x1x4x128x64xf32, #tpu.memory_space<hbm>> -> memref<4x128x64xf32, #tpu.memory_space<hbm>>
      %dma_start3A_609 = arith.constant 0 : i32
      %dma_start3A_610 = arith.constant 0 : i32
      %dma_start3A_611 = arith.constant 0 : i32
      %dma_start3A_612 = tpu.memref_slice %arg7[%dma_start3A_593, %dma_start3A_609, %dma_start3A_610, %dma_start3A_611] : memref<2x4x128x64xf32, #tpu.memory_space<vmem>> -> memref<1x4x128x64xf32, #tpu.memory_space<vmem>>
      %dma_start3A_613 = tpu.memref_squeeze %dma_start3A_612 : memref<1x4x128x64xf32, #tpu.memory_space<vmem>> -> memref<4x128x64xf32, #tpu.memory_space<vmem>>
      tpu.enqueue_dma source(%dma_start3A_613 : memref<4x128x64xf32, #tpu.memory_space<vmem>>) target(%dma_start3A_608 : memref<4x128x64xf32, #tpu.memory_space<hbm>>) target_semaphore(%arg10 : memref<!tpu.dma_semaphore, #tpu.memory_space<semaphore_mem>>)
      %mul3A_614 = arith.constant 2 : i32
      %mul3A_615 = arith.muli %mul3A_614, %scan3A_520 : i32
      %add3A_616 = arith.constant 1 : i32
      %add3A_617 = arith.addi %mul3A_615, %add3A_616 : i32
      %add3A_618 = arith.constant 1 : i32
      %add3A_619 = arith.addi %add3A_617, %add3A_618 : i32
      %lt3A_620 = arith.constant 50 : i32
      %lt3A_621 = arith.cmpi slt, %add3A_619, %lt3A_620 : i32
      %convert_element_type3A_622 = arith.extui %lt3A_621 : i1 to i32
      %cond3A_623 = arith.constant 0 : i32
      %cond3A_624 = arith.cmpi ne, %convert_element_type3A_622, %cond3A_623 : i32
      scf.if %cond3A_624 {
        %ge3A = arith.constant 1 : i32
        %ge3A_710 = arith.cmpi sge, %add3A_617, %ge3A : i32
        %convert_element_type3A_711 = arith.extui %ge3A_710 : i1 to i32
        %cond3A_712 = arith.constant 0 : i32
        %cond3A_713 = arith.cmpi ne, %convert_element_type3A_711, %cond3A_712 : i32
        scf.if %cond3A_713 {
          %dma_wait3A_1156 = arith.constant 0 : i32
          %dma_wait3A_1157 = arith.constant 0 : i32
          %dma_wait3A_1158 = arith.constant 0 : i32
          %dma_wait3A_1159 = arith.constant 0 : i32
          %dma_wait3A_1160 = arith.constant 0 : i32
          %dma_wait3A_1161 = arith.constant 0 : i32
          %dma_wait3A_1162 = tpu.memref_slice %arg7[%dma_wait3A_1156, %dma_wait3A_1159, %dma_wait3A_1160, %dma_wait3A_1161] : memref<2x4x128x64xf32, #tpu.memory_space<vmem>> -> memref<1x4x128x64xf32, #tpu.memory_space<vmem>>
          %dma_wait3A_1163 = tpu.memref_squeeze %dma_wait3A_1162 : memref<1x4x128x64xf32, #tpu.memory_space<vmem>> -> memref<4x128x64xf32, #tpu.memory_space<vmem>>
          %dma_wait3A_1164 = arith.constant 0 : i32
          %dma_wait3A_1165 = arith.constant 0 : i32
          %dma_wait3A_1166 = arith.constant 0 : i32
          %dma_wait3A_1167 = tpu.memref_slice %arg4[%dma_wait3A_1157, %dma_wait3A_1158, %dma_wait3A_1164, %dma_wait3A_1165, %dma_wait3A_1166] : memref<32x50x4x128x64xf32, #tpu.memory_space<hbm>> -> memref<1x1x4x128x64xf32, #tpu.memory_space<hbm>>
          %dma_wait3A_1168 = tpu.memref_squeeze %dma_wait3A_1167 : memref<1x1x4x128x64xf32, #tpu.memory_space<hbm>> -> memref<4x128x64xf32, #tpu.memory_space<hbm>>
          %dma_wait3A_1169 = arith.constant 0 : i32
          %dma_wait3A_1170 = arith.constant 0 : i32
          %dma_wait3A_1171 = arith.constant 0 : i32
          %dma_wait3A_1172 = tpu.memref_slice %arg4[%dma_wait3A_1157, %dma_wait3A_1158, %dma_wait3A_1169, %dma_wait3A_1170, %dma_wait3A_1171] : memref<32x50x4x128x64xf32, #tpu.memory_space<hbm>> -> memref<1x1x4x128x64xf32, #tpu.memory_space<hbm>>
          %dma_wait3A_1173 = tpu.memref_squeeze %dma_wait3A_1172 : memref<1x1x4x128x64xf32, #tpu.memory_space<hbm>> -> memref<4x128x64xf32, #tpu.memory_space<hbm>>
          %dma_wait3A_1174 = arith.constant 0 : i32
          %dma_wait3A_1175 = arith.constant 0 : i32
          %dma_wait3A_1176 = arith.constant 0 : i32
          %dma_wait3A_1177 = tpu.memref_slice %arg7[%dma_wait3A_1156, %dma_wait3A_1174, %dma_wait3A_1175, %dma_wait3A_1176] : memref<2x4x128x64xf32, #tpu.memory_space<vmem>> -> memref<1x4x128x64xf32, #tpu.memory_space<vmem>>
          %dma_wait3A_1178 = tpu.memref_squeeze %dma_wait3A_1177 : memref<1x4x128x64xf32, #tpu.memory_space<vmem>> -> memref<4x128x64xf32, #tpu.memory_space<vmem>>
          tpu.wait_dma2 semaphore(%arg10 : memref<!tpu.dma_semaphore, #tpu.memory_space<semaphore_mem>>) src(%dma_wait3A_1178 : memref<4x128x64xf32, #tpu.memory_space<vmem>>) dst(%dma_wait3A_1173 : memref<4x128x64xf32, #tpu.memory_space<hbm>>)
        } else {
        }
        %add3A_714 = arith.constant 1 : i32
        %add3A_715 = arith.addi %add3A_617, %add3A_714 : i32
        %get3A_716 = arith.index_cast %add3A_715 : i32 to index
        %get3A_717 = arith.constant 0 : index
        %get3A_718 = tpu.vector_load %arg5[%get3A_716, %get3A_717] {strides = array<i32>} : memref<50x512xi32, #tpu.memory_space<vmem>>, vector<1x16xi32>,
        %get3A_719 = vector.shape_cast %get3A_718 : vector<1x16xi32> to vector<16xi32>
        %swap3A_720 = arith.constant 0 : i32
        %swap3A_721 = arith.constant 0 : i32
        %swap3A_722 = arith.index_cast %swap3A_720 : i32 to index
        %swap3A_723 = arith.index_cast %swap3A_721 : i32 to index
        %swap3A_724 = arith.constant 0 : index
        %swap3A_725 = tpu.vector_load %arg6[%swap3A_722, %swap3A_723, %swap3A_724] {strides = array<i32>} : memref<2x4x128xi32, #tpu.memory_space<vmem>>, vector<1x1x16xi32>,
        %swap3A_726 = vector.shape_cast %swap3A_725 : vector<1x1x16xi32> to vector<16xi32>
        %swap3A_727 = vector.shape_cast %get3A_719 : vector<16xi32> to vector<1x1x16xi32>
        tpu.vector_store %arg6[%swap3A_722, %swap3A_723, %swap3A_724], %swap3A_727 {strides = array<i32>} : memref<2x4x128xi32, #tpu.memory_space<vmem>>, vector<1x1x16xi32>,
        %get3A_728 = arith.index_cast %add3A_715 : i32 to index
        %get3A_729 = arith.constant 16 : index
        %get3A_730 = tpu.vector_load %arg5[%get3A_728, %get3A_729] {strides = array<i32>} : memref<50x512xi32, #tpu.memory_space<vmem>>, vector<1x16xi32>,
        %get3A_731 = vector.shape_cast %get3A_730 : vector<1x16xi32> to vector<16xi32>
        %swap3A_732 = arith.constant 0 : i32
        %swap3A_733 = arith.constant 0 : i32
        %swap3A_734 = arith.index_cast %swap3A_732 : i32 to index
        %swap3A_735 = arith.index_cast %swap3A_733 : i32 to index
        %swap3A_736 = arith.constant 16 : index
        %swap3A_737 = tpu.vector_load %arg6[%swap3A_734, %swap3A_735, %swap3A_736] {strides = array<i32>} : memref<2x4x128xi32, #tpu.memory_space<vmem>>, vector<1x1x16xi32>,
        %swap3A_738 = vector.shape_cast %swap3A_737 : vector<1x1x16xi32> to vector<16xi32>
        %swap3A_739 = vector.shape_cast %get3A_731 : vector<16xi32> to vector<1x1x16xi32>
        tpu.vector_store %arg6[%swap3A_734, %swap3A_735, %swap3A_736], %swap3A_739 {strides = array<i32>} : memref<2x4x128xi32, #tpu.memory_space<vmem>>, vector<1x1x16xi32>,
        %get3A_740 = arith.index_cast %add3A_715 : i32 to index
        %get3A_741 = arith.constant 32 : index
        %get3A_742 = tpu.vector_load %arg5[%get3A_740, %get3A_741] {strides = array<i32>} : memref<50x512xi32, #tpu.memory_space<vmem>>, vector<1x16xi32>,
        %get3A_743 = vector.shape_cast %get3A_742 : vector<1x16xi32> to vector<16xi32>
        %swap3A_744 = arith.constant 0 : i32
        %swap3A_745 = arith.constant 0 : i32
        %swap3A_746 = arith.index_cast %swap3A_744 : i32 to index
        %swap3A_747 = arith.index_cast %swap3A_745 : i32 to index
        %swap3A_748 = arith.constant 32 : index
        %swap3A_749 = tpu.vector_load %arg6[%swap3A_746, %swap3A_747, %swap3A_748] {strides = array<i32>} : memref<2x4x128xi32, #tpu.memory_space<vmem>>, vector<1x1x16xi32>,
        %swap3A_750 = vector.shape_cast %swap3A_749 : vector<1x1x16xi32> to vector<16xi32>
        %swap3A_751 = vector.shape_cast %get3A_743 : vector<16xi32> to vector<1x1x16xi32>
        tpu.vector_store %arg6[%swap3A_746, %swap3A_747, %swap3A_748], %swap3A_751 {strides = array<i32>} : memref<2x4x128xi32, #tpu.memory_space<vmem>>, vector<1x1x16xi32>,
        %get3A_752 = arith.index_cast %add3A_715 : i32 to index
        %get3A_753 = arith.constant 48 : index
        %get3A_754 = tpu.vector_load %arg5[%get3A_752, %get3A_753] {strides = array<i32>} : memref<50x512xi32, #tpu.memory_space<vmem>>, vector<1x16xi32>,
        %get3A_755 = vector.shape_cast %get3A_754 : vector<1x16xi32> to vector<16xi32>
        %swap3A_756 = arith.constant 0 : i32
        %swap3A_757 = arith.constant 0 : i32
        %swap3A_758 = arith.index_cast %swap3A_756 : i32 to index
        %swap3A_759 = arith.index_cast %swap3A_757 : i32 to index
        %swap3A_760 = arith.constant 48 : index
        %swap3A_761 = tpu.vector_load %arg6[%swap3A_758, %swap3A_759, %swap3A_760] {strides = array<i32>} : memref<2x4x128xi32, #tpu.memory_space<vmem>>, vector<1x1x16xi32>,
        %swap3A_762 = vector.shape_cast %swap3A_761 : vector<1x1x16xi32> to vector<16xi32>
        %swap3A_763 = vector.shape_cast %get3A_755 : vector<16xi32> to vector<1x1x16xi32>
        tpu.vector_store %arg6[%swap3A_758, %swap3A_759, %swap3A_760], %swap3A_763 {strides = array<i32>} : memref<2x4x128xi32, #tpu.memory_space<vmem>>, vector<1x1x16xi32>,
        %get3A_764 = arith.index_cast %add3A_715 : i32 to index
        %get3A_765 = arith.constant 64 : index
        %get3A_766 = tpu.vector_load %arg5[%get3A_764, %get3A_765] {strides = array<i32>} : memref<50x512xi32, #tpu.memory_space<vmem>>, vector<1x16xi32>,
        %get3A_767 = vector.shape_cast %get3A_766 : vector<1x16xi32> to vector<16xi32>
        %swap3A_768 = arith.constant 0 : i32
        %swap3A_769 = arith.constant 0 : i32
        %swap3A_770 = arith.index_cast %swap3A_768 : i32 to index
        %swap3A_771 = arith.index_cast %swap3A_769 : i32 to index
        %swap3A_772 = arith.constant 64 : index
        %swap3A_773 = tpu.vector_load %arg6[%swap3A_770, %swap3A_771, %swap3A_772] {strides = array<i32>} : memref<2x4x128xi32, #tpu.memory_space<vmem>>, vector<1x1x16xi32>,
        %swap3A_774 = vector.shape_cast %swap3A_773 : vector<1x1x16xi32> to vector<16xi32>
        %swap3A_775 = vector.shape_cast %get3A_767 : vector<16xi32> to vector<1x1x16xi32>
        tpu.vector_store %arg6[%swap3A_770, %swap3A_771, %swap3A_772], %swap3A_775 {strides = array<i32>} : memref<2x4x128xi32, #tpu.memory_space<vmem>>, vector<1x1x16xi32>,
        %get3A_776 = arith.index_cast %add3A_715 : i32 to index
        %get3A_777 = arith.constant 80 : index
        %get3A_778 = tpu.vector_load %arg5[%get3A_776, %get3A_777] {strides = array<i32>} : memref<50x512xi32, #tpu.memory_space<vmem>>, vector<1x16xi32>,
        %get3A_779 = vector.shape_cast %get3A_778 : vector<1x16xi32> to vector<16xi32>
        %swap3A_780 = arith.constant 0 : i32
        %swap3A_781 = arith.constant 0 : i32
        %swap3A_782 = arith.index_cast %swap3A_780 : i32 to index
        %swap3A_783 = arith.index_cast %swap3A_781 : i32 to index
        %swap3A_784 = arith.constant 80 : index
        %swap3A_785 = tpu.vector_load %arg6[%swap3A_782, %swap3A_783, %swap3A_784] {strides = array<i32>} : memref<2x4x128xi32, #tpu.memory_space<vmem>>, vector<1x1x16xi32>,
        %swap3A_786 = vector.shape_cast %swap3A_785 : vector<1x1x16xi32> to vector<16xi32>
        %swap3A_787 = vector.shape_cast %get3A_779 : vector<16xi32> to vector<1x1x16xi32>
        tpu.vector_store %arg6[%swap3A_782, %swap3A_783, %swap3A_784], %swap3A_787 {strides = array<i32>} : memref<2x4x128xi32, #tpu.memory_space<vmem>>, vector<1x1x16xi32>,
        %get3A_788 = arith.index_cast %add3A_715 : i32 to index
        %get3A_789 = arith.constant 96 : index
        %get3A_790 = tpu.vector_load %arg5[%get3A_788, %get3A_789] {strides = array<i32>} : memref<50x512xi32, #tpu.memory_space<vmem>>, vector<1x16xi32>,
        %get3A_791 = vector.shape_cast %get3A_790 : vector<1x16xi32> to vector<16xi32>
        %swap3A_792 = arith.constant 0 : i32
        %swap3A_793 = arith.constant 0 : i32
        %swap3A_794 = arith.index_cast %swap3A_792 : i32 to index
        %swap3A_795 = arith.index_cast %swap3A_793 : i32 to index
        %swap3A_796 = arith.constant 96 : index
        %swap3A_797 = tpu.vector_load %arg6[%swap3A_794, %swap3A_795, %swap3A_796] {strides = array<i32>} : memref<2x4x128xi32, #tpu.memory_space<vmem>>, vector<1x1x16xi32>,
        %swap3A_798 = vector.shape_cast %swap3A_797 : vector<1x1x16xi32> to vector<16xi32>
        %swap3A_799 = vector.shape_cast %get3A_791 : vector<16xi32> to vector<1x1x16xi32>
        tpu.vector_store %arg6[%swap3A_794, %swap3A_795, %swap3A_796], %swap3A_799 {strides = array<i32>} : memref<2x4x128xi32, #tpu.memory_space<vmem>>, vector<1x1x16xi32>,
        %get3A_800 = arith.index_cast %add3A_715 : i32 to index
        %get3A_801 = arith.constant 112 : index
        %get3A_802 = tpu.vector_load %arg5[%get3A_800, %get3A_801] {strides = array<i32>} : memref<50x512xi32, #tpu.memory_space<vmem>>, vector<1x16xi32>,
        %get3A_803 = vector.shape_cast %get3A_802 : vector<1x16xi32> to vector<16xi32>
        %swap3A_804 = arith.constant 0 : i32
        %swap3A_805 = arith.constant 0 : i32
        %swap3A_806 = arith.index_cast %swap3A_804 : i32 to index
        %swap3A_807 = arith.index_cast %swap3A_805 : i32 to index
        %swap3A_808 = arith.constant 112 : index
        %swap3A_809 = tpu.vector_load %arg6[%swap3A_806, %swap3A_807, %swap3A_808] {strides = array<i32>} : memref<2x4x128xi32, #tpu.memory_space<vmem>>, vector<1x1x16xi32>,
        %swap3A_810 = vector.shape_cast %swap3A_809 : vector<1x1x16xi32> to vector<16xi32>
        %swap3A_811 = vector.shape_cast %get3A_803 : vector<16xi32> to vector<1x1x16xi32>
        tpu.vector_store %arg6[%swap3A_806, %swap3A_807, %swap3A_808], %swap3A_811 {strides = array<i32>} : memref<2x4x128xi32, #tpu.memory_space<vmem>>, vector<1x1x16xi32>,
        %get3A_812 = arith.index_cast %add3A_715 : i32 to index
        %get3A_813 = arith.constant 128 : index
        %get3A_814 = tpu.vector_load %arg5[%get3A_812, %get3A_813] {strides = array<i32>} : memref<50x512xi32, #tpu.memory_space<vmem>>, vector<1x16xi32>,
        %get3A_815 = vector.shape_cast %get3A_814 : vector<1x16xi32> to vector<16xi32>
        %swap3A_816 = arith.constant 0 : i32
        %swap3A_817 = arith.constant 1 : i32
        %swap3A_818 = arith.index_cast %swap3A_816 : i32 to index
        %swap3A_819 = arith.index_cast %swap3A_817 : i32 to index
        %swap3A_820 = arith.constant 0 : index
        %swap3A_821 = tpu.vector_load %arg6[%swap3A_818, %swap3A_819, %swap3A_820] {strides = array<i32>} : memref<2x4x128xi32, #tpu.memory_space<vmem>>, vector<1x1x16xi32>,
        %swap3A_822 = vector.shape_cast %swap3A_821 : vector<1x1x16xi32> to vector<16xi32>
        %swap3A_823 = vector.shape_cast %get3A_815 : vector<16xi32> to vector<1x1x16xi32>
        tpu.vector_store %arg6[%swap3A_818, %swap3A_819, %swap3A_820], %swap3A_823 {strides = array<i32>} : memref<2x4x128xi32, #tpu.memory_space<vmem>>, vector<1x1x16xi32>,
        %get3A_824 = arith.index_cast %add3A_715 : i32 to index
        %get3A_825 = arith.constant 144 : index
        %get3A_826 = tpu.vector_load %arg5[%get3A_824, %get3A_825] {strides = array<i32>} : memref<50x512xi32, #tpu.memory_space<vmem>>, vector<1x16xi32>,
        %get3A_827 = vector.shape_cast %get3A_826 : vector<1x16xi32> to vector<16xi32>
        %swap3A_828 = arith.constant 0 : i32
        %swap3A_829 = arith.constant 1 : i32
        %swap3A_830 = arith.index_cast %swap3A_828 : i32 to index
        %swap3A_831 = arith.index_cast %swap3A_829 : i32 to index
        %swap3A_832 = arith.constant 16 : index
        %swap3A_833 = tpu.vector_load %arg6[%swap3A_830, %swap3A_831, %swap3A_832] {strides = array<i32>} : memref<2x4x128xi32, #tpu.memory_space<vmem>>, vector<1x1x16xi32>,
        %swap3A_834 = vector.shape_cast %swap3A_833 : vector<1x1x16xi32> to vector<16xi32>
        %swap3A_835 = vector.shape_cast %get3A_827 : vector<16xi32> to vector<1x1x16xi32>
        tpu.vector_store %arg6[%swap3A_830, %swap3A_831, %swap3A_832], %swap3A_835 {strides = array<i32>} : memref<2x4x128xi32, #tpu.memory_space<vmem>>, vector<1x1x16xi32>,
        %get3A_836 = arith.index_cast %add3A_715 : i32 to index
        %get3A_837 = arith.constant 160 : index
        %get3A_838 = tpu.vector_load %arg5[%get3A_836, %get3A_837] {strides = array<i32>} : memref<50x512xi32, #tpu.memory_space<vmem>>, vector<1x16xi32>,
        %get3A_839 = vector.shape_cast %get3A_838 : vector<1x16xi32> to vector<16xi32>
        %swap3A_840 = arith.constant 0 : i32
        %swap3A_841 = arith.constant 1 : i32
        %swap3A_842 = arith.index_cast %swap3A_840 : i32 to index
        %swap3A_843 = arith.index_cast %swap3A_841 : i32 to index
        %swap3A_844 = arith.constant 32 : index
        %swap3A_845 = tpu.vector_load %arg6[%swap3A_842, %swap3A_843, %swap3A_844] {strides = array<i32>} : memref<2x4x128xi32, #tpu.memory_space<vmem>>, vector<1x1x16xi32>,
        %swap3A_846 = vector.shape_cast %swap3A_845 : vector<1x1x16xi32> to vector<16xi32>
        %swap3A_847 = vector.shape_cast %get3A_839 : vector<16xi32> to vector<1x1x16xi32>
        tpu.vector_store %arg6[%swap3A_842, %swap3A_843, %swap3A_844], %swap3A_847 {strides = array<i32>} : memref<2x4x128xi32, #tpu.memory_space<vmem>>, vector<1x1x16xi32>,
        %get3A_848 = arith.index_cast %add3A_715 : i32 to index
        %get3A_849 = arith.constant 176 : index
        %get3A_850 = tpu.vector_load %arg5[%get3A_848, %get3A_849] {strides = array<i32>} : memref<50x512xi32, #tpu.memory_space<vmem>>, vector<1x16xi32>,
        %get3A_851 = vector.shape_cast %get3A_850 : vector<1x16xi32> to vector<16xi32>
        %swap3A_852 = arith.constant 0 : i32
        %swap3A_853 = arith.constant 1 : i32
        %swap3A_854 = arith.index_cast %swap3A_852 : i32 to index
        %swap3A_855 = arith.index_cast %swap3A_853 : i32 to index
        %swap3A_856 = arith.constant 48 : index
        %swap3A_857 = tpu.vector_load %arg6[%swap3A_854, %swap3A_855, %swap3A_856] {strides = array<i32>} : memref<2x4x128xi32, #tpu.memory_space<vmem>>, vector<1x1x16xi32>,
        %swap3A_858 = vector.shape_cast %swap3A_857 : vector<1x1x16xi32> to vector<16xi32>
        %swap3A_859 = vector.shape_cast %get3A_851 : vector<16xi32> to vector<1x1x16xi32>
        tpu.vector_store %arg6[%swap3A_854, %swap3A_855, %swap3A_856], %swap3A_859 {strides = array<i32>} : memref<2x4x128xi32, #tpu.memory_space<vmem>>, vector<1x1x16xi32>,
        %get3A_860 = arith.index_cast %add3A_715 : i32 to index
        %get3A_861 = arith.constant 192 : index
        %get3A_862 = tpu.vector_load %arg5[%get3A_860, %get3A_861] {strides = array<i32>} : memref<50x512xi32, #tpu.memory_space<vmem>>, vector<1x16xi32>,
        %get3A_863 = vector.shape_cast %get3A_862 : vector<1x16xi32> to vector<16xi32>
        %swap3A_864 = arith.constant 0 : i32
        %swap3A_865 = arith.constant 1 : i32
        %swap3A_866 = arith.index_cast %swap3A_864 : i32 to index
        %swap3A_867 = arith.index_cast %swap3A_865 : i32 to index
        %swap3A_868 = arith.constant 64 : index
        %swap3A_869 = tpu.vector_load %arg6[%swap3A_866, %swap3A_867, %swap3A_868] {strides = array<i32>} : memref<2x4x128xi32, #tpu.memory_space<vmem>>, vector<1x1x16xi32>,
        %swap3A_870 = vector.shape_cast %swap3A_869 : vector<1x1x16xi32> to vector<16xi32>
        %swap3A_871 = vector.shape_cast %get3A_863 : vector<16xi32> to vector<1x1x16xi32>
        tpu.vector_store %arg6[%swap3A_866, %swap3A_867, %swap3A_868], %swap3A_871 {strides = array<i32>} : memref<2x4x128xi32, #tpu.memory_space<vmem>>, vector<1x1x16xi32>,
        %get3A_872 = arith.index_cast %add3A_715 : i32 to index
        %get3A_873 = arith.constant 208 : index
        %get3A_874 = tpu.vector_load %arg5[%get3A_872, %get3A_873] {strides = array<i32>} : memref<50x512xi32, #tpu.memory_space<vmem>>, vector<1x16xi32>,
        %get3A_875 = vector.shape_cast %get3A_874 : vector<1x16xi32> to vector<16xi32>
        %swap3A_876 = arith.constant 0 : i32
        %swap3A_877 = arith.constant 1 : i32
        %swap3A_878 = arith.index_cast %swap3A_876 : i32 to index
        %swap3A_879 = arith.index_cast %swap3A_877 : i32 to index
        %swap3A_880 = arith.constant 80 : index
        %swap3A_881 = tpu.vector_load %arg6[%swap3A_878, %swap3A_879, %swap3A_880] {strides = array<i32>} : memref<2x4x128xi32, #tpu.memory_space<vmem>>, vector<1x1x16xi32>,
        %swap3A_882 = vector.shape_cast %swap3A_881 : vector<1x1x16xi32> to vector<16xi32>
        %swap3A_883 = vector.shape_cast %get3A_875 : vector<16xi32> to vector<1x1x16xi32>
        tpu.vector_store %arg6[%swap3A_878, %swap3A_879, %swap3A_880], %swap3A_883 {strides = array<i32>} : memref<2x4x128xi32, #tpu.memory_space<vmem>>, vector<1x1x16xi32>,
        %get3A_884 = arith.index_cast %add3A_715 : i32 to index
        %get3A_885 = arith.constant 224 : index
        %get3A_886 = tpu.vector_load %arg5[%get3A_884, %get3A_885] {strides = array<i32>} : memref<50x512xi32, #tpu.memory_space<vmem>>, vector<1x16xi32>,
        %get3A_887 = vector.shape_cast %get3A_886 : vector<1x16xi32> to vector<16xi32>
        %swap3A_888 = arith.constant 0 : i32
        %swap3A_889 = arith.constant 1 : i32
        %swap3A_890 = arith.index_cast %swap3A_888 : i32 to index
        %swap3A_891 = arith.index_cast %swap3A_889 : i32 to index
        %swap3A_892 = arith.constant 96 : index
        %swap3A_893 = tpu.vector_load %arg6[%swap3A_890, %swap3A_891, %swap3A_892] {strides = array<i32>} : memref<2x4x128xi32, #tpu.memory_space<vmem>>, vector<1x1x16xi32>,
        %swap3A_894 = vector.shape_cast %swap3A_893 : vector<1x1x16xi32> to vector<16xi32>
        %swap3A_895 = vector.shape_cast %get3A_887 : vector<16xi32> to vector<1x1x16xi32>
        tpu.vector_store %arg6[%swap3A_890, %swap3A_891, %swap3A_892], %swap3A_895 {strides = array<i32>} : memref<2x4x128xi32, #tpu.memory_space<vmem>>, vector<1x1x16xi32>,
        %get3A_896 = arith.index_cast %add3A_715 : i32 to index
        %get3A_897 = arith.constant 240 : index
        %get3A_898 = tpu.vector_load %arg5[%get3A_896, %get3A_897] {strides = array<i32>} : memref<50x512xi32, #tpu.memory_space<vmem>>, vector<1x16xi32>,
        %get3A_899 = vector.shape_cast %get3A_898 : vector<1x16xi32> to vector<16xi32>
        %swap3A_900 = arith.constant 0 : i32
        %swap3A_901 = arith.constant 1 : i32
        %swap3A_902 = arith.index_cast %swap3A_900 : i32 to index
        %swap3A_903 = arith.index_cast %swap3A_901 : i32 to index
        %swap3A_904 = arith.constant 112 : index
        %swap3A_905 = tpu.vector_load %arg6[%swap3A_902, %swap3A_903, %swap3A_904] {strides = array<i32>} : memref<2x4x128xi32, #tpu.memory_space<vmem>>, vector<1x1x16xi32>,
        %swap3A_906 = vector.shape_cast %swap3A_905 : vector<1x1x16xi32> to vector<16xi32>
        %swap3A_907 = vector.shape_cast %get3A_899 : vector<16xi32> to vector<1x1x16xi32>
        tpu.vector_store %arg6[%swap3A_902, %swap3A_903, %swap3A_904], %swap3A_907 {strides = array<i32>} : memref<2x4x128xi32, #tpu.memory_space<vmem>>, vector<1x1x16xi32>,
        %get3A_908 = arith.index_cast %add3A_715 : i32 to index
        %get3A_909 = arith.constant 256 : index
        %get3A_910 = tpu.vector_load %arg5[%get3A_908, %get3A_909] {strides = array<i32>} : memref<50x512xi32, #tpu.memory_space<vmem>>, vector<1x16xi32>,
        %get3A_911 = vector.shape_cast %get3A_910 : vector<1x16xi32> to vector<16xi32>
        %swap3A_912 = arith.constant 0 : i32
        %swap3A_913 = arith.constant 2 : i32
        %swap3A_914 = arith.index_cast %swap3A_912 : i32 to index
        %swap3A_915 = arith.index_cast %swap3A_913 : i32 to index
        %swap3A_916 = arith.constant 0 : index
        %swap3A_917 = tpu.vector_load %arg6[%swap3A_914, %swap3A_915, %swap3A_916] {strides = array<i32>} : memref<2x4x128xi32, #tpu.memory_space<vmem>>, vector<1x1x16xi32>,
        %swap3A_918 = vector.shape_cast %swap3A_917 : vector<1x1x16xi32> to vector<16xi32>
        %swap3A_919 = vector.shape_cast %get3A_911 : vector<16xi32> to vector<1x1x16xi32>
        tpu.vector_store %arg6[%swap3A_914, %swap3A_915, %swap3A_916], %swap3A_919 {strides = array<i32>} : memref<2x4x128xi32, #tpu.memory_space<vmem>>, vector<1x1x16xi32>,
        %get3A_920 = arith.index_cast %add3A_715 : i32 to index
        %get3A_921 = arith.constant 272 : index
        %get3A_922 = tpu.vector_load %arg5[%get3A_920, %get3A_921] {strides = array<i32>} : memref<50x512xi32, #tpu.memory_space<vmem>>, vector<1x16xi32>,
        %get3A_923 = vector.shape_cast %get3A_922 : vector<1x16xi32> to vector<16xi32>
        %swap3A_924 = arith.constant 0 : i32
        %swap3A_925 = arith.constant 2 : i32
        %swap3A_926 = arith.index_cast %swap3A_924 : i32 to index
        %swap3A_927 = arith.index_cast %swap3A_925 : i32 to index
        %swap3A_928 = arith.constant 16 : index
        %swap3A_929 = tpu.vector_load %arg6[%swap3A_926, %swap3A_927, %swap3A_928] {strides = array<i32>} : memref<2x4x128xi32, #tpu.memory_space<vmem>>, vector<1x1x16xi32>,
        %swap3A_930 = vector.shape_cast %swap3A_929 : vector<1x1x16xi32> to vector<16xi32>
        %swap3A_931 = vector.shape_cast %get3A_923 : vector<16xi32> to vector<1x1x16xi32>
        tpu.vector_store %arg6[%swap3A_926, %swap3A_927, %swap3A_928], %swap3A_931 {strides = array<i32>} : memref<2x4x128xi32, #tpu.memory_space<vmem>>, vector<1x1x16xi32>,
        %get3A_932 = arith.index_cast %add3A_715 : i32 to index
        %get3A_933 = arith.constant 288 : index
        %get3A_934 = tpu.vector_load %arg5[%get3A_932, %get3A_933] {strides = array<i32>} : memref<50x512xi32, #tpu.memory_space<vmem>>, vector<1x16xi32>,
        %get3A_935 = vector.shape_cast %get3A_934 : vector<1x16xi32> to vector<16xi32>
        %swap3A_936 = arith.constant 0 : i32
        %swap3A_937 = arith.constant 2 : i32
        %swap3A_938 = arith.index_cast %swap3A_936 : i32 to index
        %swap3A_939 = arith.index_cast %swap3A_937 : i32 to index
        %swap3A_940 = arith.constant 32 : index
        %swap3A_941 = tpu.vector_load %arg6[%swap3A_938, %swap3A_939, %swap3A_940] {strides = array<i32>} : memref<2x4x128xi32, #tpu.memory_space<vmem>>, vector<1x1x16xi32>,
        %swap3A_942 = vector.shape_cast %swap3A_941 : vector<1x1x16xi32> to vector<16xi32>
        %swap3A_943 = vector.shape_cast %get3A_935 : vector<16xi32> to vector<1x1x16xi32>
        tpu.vector_store %arg6[%swap3A_938, %swap3A_939, %swap3A_940], %swap3A_943 {strides = array<i32>} : memref<2x4x128xi32, #tpu.memory_space<vmem>>, vector<1x1x16xi32>,
        %get3A_944 = arith.index_cast %add3A_715 : i32 to index
        %get3A_945 = arith.constant 304 : index
        %get3A_946 = tpu.vector_load %arg5[%get3A_944, %get3A_945] {strides = array<i32>} : memref<50x512xi32, #tpu.memory_space<vmem>>, vector<1x16xi32>,
        %get3A_947 = vector.shape_cast %get3A_946 : vector<1x16xi32> to vector<16xi32>
        %swap3A_948 = arith.constant 0 : i32
        %swap3A_949 = arith.constant 2 : i32
        %swap3A_950 = arith.index_cast %swap3A_948 : i32 to index
        %swap3A_951 = arith.index_cast %swap3A_949 : i32 to index
        %swap3A_952 = arith.constant 48 : index
        %swap3A_953 = tpu.vector_load %arg6[%swap3A_950, %swap3A_951, %swap3A_952] {strides = array<i32>} : memref<2x4x128xi32, #tpu.memory_space<vmem>>, vector<1x1x16xi32>,
        %swap3A_954 = vector.shape_cast %swap3A_953 : vector<1x1x16xi32> to vector<16xi32>
        %swap3A_955 = vector.shape_cast %get3A_947 : vector<16xi32> to vector<1x1x16xi32>
        tpu.vector_store %arg6[%swap3A_950, %swap3A_951, %swap3A_952], %swap3A_955 {strides = array<i32>} : memref<2x4x128xi32, #tpu.memory_space<vmem>>, vector<1x1x16xi32>,
        %get3A_956 = arith.index_cast %add3A_715 : i32 to index
        %get3A_957 = arith.constant 320 : index
        %get3A_958 = tpu.vector_load %arg5[%get3A_956, %get3A_957] {strides = array<i32>} : memref<50x512xi32, #tpu.memory_space<vmem>>, vector<1x16xi32>,
        %get3A_959 = vector.shape_cast %get3A_958 : vector<1x16xi32> to vector<16xi32>
        %swap3A_960 = arith.constant 0 : i32
        %swap3A_961 = arith.constant 2 : i32
        %swap3A_962 = arith.index_cast %swap3A_960 : i32 to index
        %swap3A_963 = arith.index_cast %swap3A_961 : i32 to index
        %swap3A_964 = arith.constant 64 : index
        %swap3A_965 = tpu.vector_load %arg6[%swap3A_962, %swap3A_963, %swap3A_964] {strides = array<i32>} : memref<2x4x128xi32, #tpu.memory_space<vmem>>, vector<1x1x16xi32>,
        %swap3A_966 = vector.shape_cast %swap3A_965 : vector<1x1x16xi32> to vector<16xi32>
        %swap3A_967 = vector.shape_cast %get3A_959 : vector<16xi32> to vector<1x1x16xi32>
        tpu.vector_store %arg6[%swap3A_962, %swap3A_963, %swap3A_964], %swap3A_967 {strides = array<i32>} : memref<2x4x128xi32, #tpu.memory_space<vmem>>, vector<1x1x16xi32>,
        %get3A_968 = arith.index_cast %add3A_715 : i32 to index
        %get3A_969 = arith.constant 336 : index
        %get3A_970 = tpu.vector_load %arg5[%get3A_968, %get3A_969] {strides = array<i32>} : memref<50x512xi32, #tpu.memory_space<vmem>>, vector<1x16xi32>,
        %get3A_971 = vector.shape_cast %get3A_970 : vector<1x16xi32> to vector<16xi32>
        %swap3A_972 = arith.constant 0 : i32
        %swap3A_973 = arith.constant 2 : i32
        %swap3A_974 = arith.index_cast %swap3A_972 : i32 to index
        %swap3A_975 = arith.index_cast %swap3A_973 : i32 to index
        %swap3A_976 = arith.constant 80 : index
        %swap3A_977 = tpu.vector_load %arg6[%swap3A_974, %swap3A_975, %swap3A_976] {strides = array<i32>} : memref<2x4x128xi32, #tpu.memory_space<vmem>>, vector<1x1x16xi32>,
        %swap3A_978 = vector.shape_cast %swap3A_977 : vector<1x1x16xi32> to vector<16xi32>
        %swap3A_979 = vector.shape_cast %get3A_971 : vector<16xi32> to vector<1x1x16xi32>
        tpu.vector_store %arg6[%swap3A_974, %swap3A_975, %swap3A_976], %swap3A_979 {strides = array<i32>} : memref<2x4x128xi32, #tpu.memory_space<vmem>>, vector<1x1x16xi32>,
        %get3A_980 = arith.index_cast %add3A_715 : i32 to index
        %get3A_981 = arith.constant 352 : index
        %get3A_982 = tpu.vector_load %arg5[%get3A_980, %get3A_981] {strides = array<i32>} : memref<50x512xi32, #tpu.memory_space<vmem>>, vector<1x16xi32>,
        %get3A_983 = vector.shape_cast %get3A_982 : vector<1x16xi32> to vector<16xi32>
        %swap3A_984 = arith.constant 0 : i32
        %swap3A_985 = arith.constant 2 : i32
        %swap3A_986 = arith.index_cast %swap3A_984 : i32 to index
        %swap3A_987 = arith.index_cast %swap3A_985 : i32 to index
        %swap3A_988 = arith.constant 96 : index
        %swap3A_989 = tpu.vector_load %arg6[%swap3A_986, %swap3A_987, %swap3A_988] {strides = array<i32>} : memref<2x4x128xi32, #tpu.memory_space<vmem>>, vector<1x1x16xi32>,
        %swap3A_990 = vector.shape_cast %swap3A_989 : vector<1x1x16xi32> to vector<16xi32>
        %swap3A_991 = vector.shape_cast %get3A_983 : vector<16xi32> to vector<1x1x16xi32>
        tpu.vector_store %arg6[%swap3A_986, %swap3A_987, %swap3A_988], %swap3A_991 {strides = array<i32>} : memref<2x4x128xi32, #tpu.memory_space<vmem>>, vector<1x1x16xi32>,
        %get3A_992 = arith.index_cast %add3A_715 : i32 to index
        %get3A_993 = arith.constant 368 : index
        %get3A_994 = tpu.vector_load %arg5[%get3A_992, %get3A_993] {strides = array<i32>} : memref<50x512xi32, #tpu.memory_space<vmem>>, vector<1x16xi32>,
        %get3A_995 = vector.shape_cast %get3A_994 : vector<1x16xi32> to vector<16xi32>
        %swap3A_996 = arith.constant 0 : i32
        %swap3A_997 = arith.constant 2 : i32
        %swap3A_998 = arith.index_cast %swap3A_996 : i32 to index
        %swap3A_999 = arith.index_cast %swap3A_997 : i32 to index
        %swap3A_1000 = arith.constant 112 : index
        %swap3A_1001 = tpu.vector_load %arg6[%swap3A_998, %swap3A_999, %swap3A_1000] {strides = array<i32>} : memref<2x4x128xi32, #tpu.memory_space<vmem>>, vector<1x1x16xi32>,
        %swap3A_1002 = vector.shape_cast %swap3A_1001 : vector<1x1x16xi32> to vector<16xi32>
        %swap3A_1003 = vector.shape_cast %get3A_995 : vector<16xi32> to vector<1x1x16xi32>
        tpu.vector_store %arg6[%swap3A_998, %swap3A_999, %swap3A_1000], %swap3A_1003 {strides = array<i32>} : memref<2x4x128xi32, #tpu.memory_space<vmem>>, vector<1x1x16xi32>,
        %get3A_1004 = arith.index_cast %add3A_715 : i32 to index
        %get3A_1005 = arith.constant 384 : index
        %get3A_1006 = tpu.vector_load %arg5[%get3A_1004, %get3A_1005] {strides = array<i32>} : memref<50x512xi32, #tpu.memory_space<vmem>>, vector<1x16xi32>,
        %get3A_1007 = vector.shape_cast %get3A_1006 : vector<1x16xi32> to vector<16xi32>
        %swap3A_1008 = arith.constant 0 : i32
        %swap3A_1009 = arith.constant 3 : i32
        %swap3A_1010 = arith.index_cast %swap3A_1008 : i32 to index
        %swap3A_1011 = arith.index_cast %swap3A_1009 : i32 to index
        %swap3A_1012 = arith.constant 0 : index
        %swap3A_1013 = tpu.vector_load %arg6[%swap3A_1010, %swap3A_1011, %swap3A_1012] {strides = array<i32>} : memref<2x4x128xi32, #tpu.memory_space<vmem>>, vector<1x1x16xi32>,
        %swap3A_1014 = vector.shape_cast %swap3A_1013 : vector<1x1x16xi32> to vector<16xi32>
        %swap3A_1015 = vector.shape_cast %get3A_1007 : vector<16xi32> to vector<1x1x16xi32>
        tpu.vector_store %arg6[%swap3A_1010, %swap3A_1011, %swap3A_1012], %swap3A_1015 {strides = array<i32>} : memref<2x4x128xi32, #tpu.memory_space<vmem>>, vector<1x1x16xi32>,
        %get3A_1016 = arith.index_cast %add3A_715 : i32 to index
        %get3A_1017 = arith.constant 400 : index
        %get3A_1018 = tpu.vector_load %arg5[%get3A_1016, %get3A_1017] {strides = array<i32>} : memref<50x512xi32, #tpu.memory_space<vmem>>, vector<1x16xi32>,
        %get3A_1019 = vector.shape_cast %get3A_1018 : vector<1x16xi32> to vector<16xi32>
        %swap3A_1020 = arith.constant 0 : i32
        %swap3A_1021 = arith.constant 3 : i32
        %swap3A_1022 = arith.index_cast %swap3A_1020 : i32 to index
        %swap3A_1023 = arith.index_cast %swap3A_1021 : i32 to index
        %swap3A_1024 = arith.constant 16 : index
        %swap3A_1025 = tpu.vector_load %arg6[%swap3A_1022, %swap3A_1023, %swap3A_1024] {strides = array<i32>} : memref<2x4x128xi32, #tpu.memory_space<vmem>>, vector<1x1x16xi32>,
        %swap3A_1026 = vector.shape_cast %swap3A_1025 : vector<1x1x16xi32> to vector<16xi32>
        %swap3A_1027 = vector.shape_cast %get3A_1019 : vector<16xi32> to vector<1x1x16xi32>
        tpu.vector_store %arg6[%swap3A_1022, %swap3A_1023, %swap3A_1024], %swap3A_1027 {strides = array<i32>} : memref<2x4x128xi32, #tpu.memory_space<vmem>>, vector<1x1x16xi32>,
        %get3A_1028 = arith.index_cast %add3A_715 : i32 to index
        %get3A_1029 = arith.constant 416 : index
        %get3A_1030 = tpu.vector_load %arg5[%get3A_1028, %get3A_1029] {strides = array<i32>} : memref<50x512xi32, #tpu.memory_space<vmem>>, vector<1x16xi32>,
        %get3A_1031 = vector.shape_cast %get3A_1030 : vector<1x16xi32> to vector<16xi32>
        %swap3A_1032 = arith.constant 0 : i32
        %swap3A_1033 = arith.constant 3 : i32
        %swap3A_1034 = arith.index_cast %swap3A_1032 : i32 to index
        %swap3A_1035 = arith.index_cast %swap3A_1033 : i32 to index
        %swap3A_1036 = arith.constant 32 : index
        %swap3A_1037 = tpu.vector_load %arg6[%swap3A_1034, %swap3A_1035, %swap3A_1036] {strides = array<i32>} : memref<2x4x128xi32, #tpu.memory_space<vmem>>, vector<1x1x16xi32>,
        %swap3A_1038 = vector.shape_cast %swap3A_1037 : vector<1x1x16xi32> to vector<16xi32>
        %swap3A_1039 = vector.shape_cast %get3A_1031 : vector<16xi32> to vector<1x1x16xi32>
        tpu.vector_store %arg6[%swap3A_1034, %swap3A_1035, %swap3A_1036], %swap3A_1039 {strides = array<i32>} : memref<2x4x128xi32, #tpu.memory_space<vmem>>, vector<1x1x16xi32>,
        %get3A_1040 = arith.index_cast %add3A_715 : i32 to index
        %get3A_1041 = arith.constant 432 : index
        %get3A_1042 = tpu.vector_load %arg5[%get3A_1040, %get3A_1041] {strides = array<i32>} : memref<50x512xi32, #tpu.memory_space<vmem>>, vector<1x16xi32>,
        %get3A_1043 = vector.shape_cast %get3A_1042 : vector<1x16xi32> to vector<16xi32>
        %swap3A_1044 = arith.constant 0 : i32
        %swap3A_1045 = arith.constant 3 : i32
        %swap3A_1046 = arith.index_cast %swap3A_1044 : i32 to index
        %swap3A_1047 = arith.index_cast %swap3A_1045 : i32 to index
        %swap3A_1048 = arith.constant 48 : index
        %swap3A_1049 = tpu.vector_load %arg6[%swap3A_1046, %swap3A_1047, %swap3A_1048] {strides = array<i32>} : memref<2x4x128xi32, #tpu.memory_space<vmem>>, vector<1x1x16xi32>,
        %swap3A_1050 = vector.shape_cast %swap3A_1049 : vector<1x1x16xi32> to vector<16xi32>
        %swap3A_1051 = vector.shape_cast %get3A_1043 : vector<16xi32> to vector<1x1x16xi32>
        tpu.vector_store %arg6[%swap3A_1046, %swap3A_1047, %swap3A_1048], %swap3A_1051 {strides = array<i32>} : memref<2x4x128xi32, #tpu.memory_space<vmem>>, vector<1x1x16xi32>,
        %get3A_1052 = arith.index_cast %add3A_715 : i32 to index
        %get3A_1053 = arith.constant 448 : index
        %get3A_1054 = tpu.vector_load %arg5[%get3A_1052, %get3A_1053] {strides = array<i32>} : memref<50x512xi32, #tpu.memory_space<vmem>>, vector<1x16xi32>,
        %get3A_1055 = vector.shape_cast %get3A_1054 : vector<1x16xi32> to vector<16xi32>
        %swap3A_1056 = arith.constant 0 : i32
        %swap3A_1057 = arith.constant 3 : i32
        %swap3A_1058 = arith.index_cast %swap3A_1056 : i32 to index
        %swap3A_1059 = arith.index_cast %swap3A_1057 : i32 to index
        %swap3A_1060 = arith.constant 64 : index
        %swap3A_1061 = tpu.vector_load %arg6[%swap3A_1058, %swap3A_1059, %swap3A_1060] {strides = array<i32>} : memref<2x4x128xi32, #tpu.memory_space<vmem>>, vector<1x1x16xi32>,
        %swap3A_1062 = vector.shape_cast %swap3A_1061 : vector<1x1x16xi32> to vector<16xi32>
        %swap3A_1063 = vector.shape_cast %get3A_1055 : vector<16xi32> to vector<1x1x16xi32>
        tpu.vector_store %arg6[%swap3A_1058, %swap3A_1059, %swap3A_1060], %swap3A_1063 {strides = array<i32>} : memref<2x4x128xi32, #tpu.memory_space<vmem>>, vector<1x1x16xi32>,
        %get3A_1064 = arith.index_cast %add3A_715 : i32 to index
        %get3A_1065 = arith.constant 464 : index
        %get3A_1066 = tpu.vector_load %arg5[%get3A_1064, %get3A_1065] {strides = array<i32>} : memref<50x512xi32, #tpu.memory_space<vmem>>, vector<1x16xi32>,
        %get3A_1067 = vector.shape_cast %get3A_1066 : vector<1x16xi32> to vector<16xi32>
        %swap3A_1068 = arith.constant 0 : i32
        %swap3A_1069 = arith.constant 3 : i32
        %swap3A_1070 = arith.index_cast %swap3A_1068 : i32 to index
        %swap3A_1071 = arith.index_cast %swap3A_1069 : i32 to index
        %swap3A_1072 = arith.constant 80 : index
        %swap3A_1073 = tpu.vector_load %arg6[%swap3A_1070, %swap3A_1071, %swap3A_1072] {strides = array<i32>} : memref<2x4x128xi32, #tpu.memory_space<vmem>>, vector<1x1x16xi32>,
        %swap3A_1074 = vector.shape_cast %swap3A_1073 : vector<1x1x16xi32> to vector<16xi32>
        %swap3A_1075 = vector.shape_cast %get3A_1067 : vector<16xi32> to vector<1x1x16xi32>
        tpu.vector_store %arg6[%swap3A_1070, %swap3A_1071, %swap3A_1072], %swap3A_1075 {strides = array<i32>} : memref<2x4x128xi32, #tpu.memory_space<vmem>>, vector<1x1x16xi32>,
        %get3A_1076 = arith.index_cast %add3A_715 : i32 to index
        %get3A_1077 = arith.constant 480 : index
        %get3A_1078 = tpu.vector_load %arg5[%get3A_1076, %get3A_1077] {strides = array<i32>} : memref<50x512xi32, #tpu.memory_space<vmem>>, vector<1x16xi32>,
        %get3A_1079 = vector.shape_cast %get3A_1078 : vector<1x16xi32> to vector<16xi32>
        %swap3A_1080 = arith.constant 0 : i32
        %swap3A_1081 = arith.constant 3 : i32
        %swap3A_1082 = arith.index_cast %swap3A_1080 : i32 to index
        %swap3A_1083 = arith.index_cast %swap3A_1081 : i32 to index
        %swap3A_1084 = arith.constant 96 : index
        %swap3A_1085 = tpu.vector_load %arg6[%swap3A_1082, %swap3A_1083, %swap3A_1084] {strides = array<i32>} : memref<2x4x128xi32, #tpu.memory_space<vmem>>, vector<1x1x16xi32>,
        %swap3A_1086 = vector.shape_cast %swap3A_1085 : vector<1x1x16xi32> to vector<16xi32>
        %swap3A_1087 = vector.shape_cast %get3A_1079 : vector<16xi32> to vector<1x1x16xi32>
        tpu.vector_store %arg6[%swap3A_1082, %swap3A_1083, %swap3A_1084], %swap3A_1087 {strides = array<i32>} : memref<2x4x128xi32, #tpu.memory_space<vmem>>, vector<1x1x16xi32>,
        %get3A_1088 = arith.index_cast %add3A_715 : i32 to index
        %get3A_1089 = arith.constant 496 : index
        %get3A_1090 = tpu.vector_load %arg5[%get3A_1088, %get3A_1089] {strides = array<i32>} : memref<50x512xi32, #tpu.memory_space<vmem>>, vector<1x16xi32>,
        %get3A_1091 = vector.shape_cast %get3A_1090 : vector<1x16xi32> to vector<16xi32>
        %swap3A_1092 = arith.constant 0 : i32
        %swap3A_1093 = arith.constant 3 : i32
        %swap3A_1094 = arith.index_cast %swap3A_1092 : i32 to index
        %swap3A_1095 = arith.index_cast %swap3A_1093 : i32 to index
        %swap3A_1096 = arith.constant 112 : index
        %swap3A_1097 = tpu.vector_load %arg6[%swap3A_1094, %swap3A_1095, %swap3A_1096] {strides = array<i32>} : memref<2x4x128xi32, #tpu.memory_space<vmem>>, vector<1x1x16xi32>,
        %swap3A_1098 = vector.shape_cast %swap3A_1097 : vector<1x1x16xi32> to vector<16xi32>
        %swap3A_1099 = vector.shape_cast %get3A_1091 : vector<16xi32> to vector<1x1x16xi32>
        tpu.vector_store %arg6[%swap3A_1094, %swap3A_1095, %swap3A_1096], %swap3A_1099 {strides = array<i32>} : memref<2x4x128xi32, #tpu.memory_space<vmem>>, vector<1x1x16xi32>,
        %dma_start3A_1100 = arith.constant 0 : i32
        %dma_start3A_1101 = arith.constant 0 : i32
        %dma_start3A_1102 = arith.constant 0 : i32
        %dma_start3A_1103 = arith.constant 0 : i32
        %dma_start3A_1104 = arith.constant 0 : i32
        %dma_start3A_1105 = arith.constant 0 : i32
        %dma_start3A_1106 = tpu.memref_slice %arg7[%dma_start3A_1102, %dma_start3A_1103, %dma_start3A_1104, %dma_start3A_1105] : memref<2x4x128x64xf32, #tpu.memory_space<vmem>> -> memref<1x1x128x64xf32, #tpu.memory_space<vmem>>
        %dma_start3A_1107 = tpu.memref_squeeze %dma_start3A_1106 : memref<1x1x128x64xf32, #tpu.memory_space<vmem>> -> memref<128x64xf32, #tpu.memory_space<vmem>>
        %dma_start3A_1108 = arith.constant 0 : i32
        %dma_start3A_1109 = tpu.memref_slice %arg6[%dma_start3A_1100, %dma_start3A_1101, %dma_start3A_1108] : memref<2x4x128xi32, #tpu.memory_space<vmem>> -> memref<1x1x128xi32, #tpu.memory_space<vmem>>
        %dma_start3A_1110 = tpu.memref_squeeze %dma_start3A_1109 : memref<1x1x128xi32, #tpu.memory_space<vmem>> -> memref<128xi32, #tpu.memory_space<vmem>>
        %dma_start3A_1111 = arith.constant 0 : i32
        %dma_start3A_1112 = arith.constant 0 : i32
        %dma_start3A_1113 = tpu.memref_slice %arg3[%dma_start3A_1111, %dma_start3A_1112] : memref<1000000x64xf32, #tpu.memory_space<hbm>> -> memref<1000000x64xf32, #tpu.memory_space<hbm>>
        tpu.enqueue_indirect_dma source(%dma_start3A_1113 : memref<1000000x64xf32, #tpu.memory_space<hbm>>) target(%dma_start3A_1107 : memref<128x64xf32, #tpu.memory_space<vmem>>) offsets(%dma_start3A_1110 : memref<128xi32, #tpu.memory_space<vmem>>) semaphore(%arg8 : memref<!tpu.dma_semaphore, #tpu.memory_space<semaphore_mem>>)
        %dma_start3A_1114 = arith.constant 0 : i32
        %dma_start3A_1115 = arith.constant 1 : i32
        %dma_start3A_1116 = arith.constant 0 : i32
        %dma_start3A_1117 = arith.constant 1 : i32
        %dma_start3A_1118 = arith.constant 0 : i32
        %dma_start3A_1119 = arith.constant 0 : i32
        %dma_start3A_1120 = tpu.memref_slice %arg7[%dma_start3A_1116, %dma_start3A_1117, %dma_start3A_1118, %dma_start3A_1119] : memref<2x4x128x64xf32, #tpu.memory_space<vmem>> -> memref<1x1x128x64xf32, #tpu.memory_space<vmem>>
        %dma_start3A_1121 = tpu.memref_squeeze %dma_start3A_1120 : memref<1x1x128x64xf32, #tpu.memory_space<vmem>> -> memref<128x64xf32, #tpu.memory_space<vmem>>
        %dma_start3A_1122 = arith.constant 0 : i32
        %dma_start3A_1123 = tpu.memref_slice %arg6[%dma_start3A_1114, %dma_start3A_1115, %dma_start3A_1122] : memref<2x4x128xi32, #tpu.memory_space<vmem>> -> memref<1x1x128xi32, #tpu.memory_space<vmem>>
        %dma_start3A_1124 = tpu.memref_squeeze %dma_start3A_1123 : memref<1x1x128xi32, #tpu.memory_space<vmem>> -> memref<128xi32, #tpu.memory_space<vmem>>
        %dma_start3A_1125 = arith.constant 0 : i32
        %dma_start3A_1126 = arith.constant 0 : i32
        %dma_start3A_1127 = tpu.memref_slice %arg3[%dma_start3A_1125, %dma_start3A_1126] : memref<1000000x64xf32, #tpu.memory_space<hbm>> -> memref<1000000x64xf32, #tpu.memory_space<hbm>>
        tpu.enqueue_indirect_dma source(%dma_start3A_1127 : memref<1000000x64xf32, #tpu.memory_space<hbm>>) target(%dma_start3A_1121 : memref<128x64xf32, #tpu.memory_space<vmem>>) offsets(%dma_start3A_1124 : memref<128xi32, #tpu.memory_space<vmem>>) semaphore(%arg8 : memref<!tpu.dma_semaphore, #tpu.memory_space<semaphore_mem>>)
        %dma_start3A_1128 = arith.constant 0 : i32
        %dma_start3A_1129 = arith.constant 2 : i32
        %dma_start3A_1130 = arith.constant 0 : i32
        %dma_start3A_1131 = arith.constant 2 : i32
        %dma_start3A_1132 = arith.constant 0 : i32
        %dma_start3A_1133 = arith.constant 0 : i32
        %dma_start3A_1134 = tpu.memref_slice %arg7[%dma_start3A_1130, %dma_start3A_1131, %dma_start3A_1132, %dma_start3A_1133] : memref<2x4x128x64xf32, #tpu.memory_space<vmem>> -> memref<1x1x128x64xf32, #tpu.memory_space<vmem>>
        %dma_start3A_1135 = tpu.memref_squeeze %dma_start3A_1134 : memref<1x1x128x64xf32, #tpu.memory_space<vmem>> -> memref<128x64xf32, #tpu.memory_space<vmem>>
        %dma_start3A_1136 = arith.constant 0 : i32
        %dma_start3A_1137 = tpu.memref_slice %arg6[%dma_start3A_1128, %dma_start3A_1129, %dma_start3A_1136] : memref<2x4x128xi32, #tpu.memory_space<vmem>> -> memref<1x1x128xi32, #tpu.memory_space<vmem>>
        %dma_start3A_1138 = tpu.memref_squeeze %dma_start3A_1137 : memref<1x1x128xi32, #tpu.memory_space<vmem>> -> memref<128xi32, #tpu.memory_space<vmem>>
        %dma_start3A_1139 = arith.constant 0 : i32
        %dma_start3A_1140 = arith.constant 0 : i32
        %dma_start3A_1141 = tpu.memref_slice %arg3[%dma_start3A_1139, %dma_start3A_1140] : memref<1000000x64xf32, #tpu.memory_space<hbm>> -> memref<1000000x64xf32, #tpu.memory_space<hbm>>
        tpu.enqueue_indirect_dma source(%dma_start3A_1141 : memref<1000000x64xf32, #tpu.memory_space<hbm>>) target(%dma_start3A_1135 : memref<128x64xf32, #tpu.memory_space<vmem>>) offsets(%dma_start3A_1138 : memref<128xi32, #tpu.memory_space<vmem>>) semaphore(%arg8 : memref<!tpu.dma_semaphore, #tpu.memory_space<semaphore_mem>>)
        %dma_start3A_1142 = arith.constant 0 : i32
        %dma_start3A_1143 = arith.constant 3 : i32
        %dma_start3A_1144 = arith.constant 0 : i32
        %dma_start3A_1145 = arith.constant 3 : i32
        %dma_start3A_1146 = arith.constant 0 : i32
        %dma_start3A_1147 = arith.constant 0 : i32
        %dma_start3A_1148 = tpu.memref_slice %arg7[%dma_start3A_1144, %dma_start3A_1145, %dma_start3A_1146, %dma_start3A_1147] : memref<2x4x128x64xf32, #tpu.memory_space<vmem>> -> memref<1x1x128x64xf32, #tpu.memory_space<vmem>>
        %dma_start3A_1149 = tpu.memref_squeeze %dma_start3A_1148 : memref<1x1x128x64xf32, #tpu.memory_space<vmem>> -> memref<128x64xf32, #tpu.memory_space<vmem>>
        %dma_start3A_1150 = arith.constant 0 : i32
        %dma_start3A_1151 = tpu.memref_slice %arg6[%dma_start3A_1142, %dma_start3A_1143, %dma_start3A_1150] : memref<2x4x128xi32, #tpu.memory_space<vmem>> -> memref<1x1x128xi32, #tpu.memory_space<vmem>>
        %dma_start3A_1152 = tpu.memref_squeeze %dma_start3A_1151 : memref<1x1x128xi32, #tpu.memory_space<vmem>> -> memref<128xi32, #tpu.memory_space<vmem>>
        %dma_start3A_1153 = arith.constant 0 : i32
        %dma_start3A_1154 = arith.constant 0 : i32
        %dma_start3A_1155 = tpu.memref_slice %arg3[%dma_start3A_1153, %dma_start3A_1154] : memref<1000000x64xf32, #tpu.memory_space<hbm>> -> memref<1000000x64xf32, #tpu.memory_space<hbm>>
        tpu.enqueue_indirect_dma source(%dma_start3A_1155 : memref<1000000x64xf32, #tpu.memory_space<hbm>>) target(%dma_start3A_1149 : memref<128x64xf32, #tpu.memory_space<vmem>>) offsets(%dma_start3A_1152 : memref<128xi32, #tpu.memory_space<vmem>>) semaphore(%arg8 : memref<!tpu.dma_semaphore, #tpu.memory_space<semaphore_mem>>)
      } else {
      }
      %dma_wait3A_625 = arith.constant 1 : i32
      %dma_wait3A_626 = arith.constant 0 : i32
      %dma_wait3A_627 = arith.constant 0 : i32
      %dma_wait3A_628 = arith.constant 0 : i32
      %dma_wait3A_629 = tpu.memref_slice %arg7[%dma_wait3A_625, %dma_wait3A_626, %dma_wait3A_627, %dma_wait3A_628] : memref<2x4x128x64xf32, #tpu.memory_space<vmem>> -> memref<1x1x128x64xf32, #tpu.memory_space<vmem>>
      %dma_wait3A_630 = tpu.memref_squeeze %dma_wait3A_629 : memref<1x1x128x64xf32, #tpu.memory_space<vmem>> -> memref<128x64xf32, #tpu.memory_space<vmem>>
      %dma_wait3A_631 = arith.constant 0 : i32
      %dma_wait3A_632 = arith.constant 0 : i32
      %dma_wait3A_633 = tpu.memref_slice %arg3[%dma_wait3A_631, %dma_wait3A_632] : memref<1000000x64xf32, #tpu.memory_space<hbm>> -> memref<128x64xf32, #tpu.memory_space<hbm>>
      %dma_wait3A_634 = arith.constant 0 : i32
      %dma_wait3A_635 = arith.constant 0 : i32
      %dma_wait3A_636 = tpu.memref_slice %arg7[%dma_wait3A_625, %dma_wait3A_626, %dma_wait3A_634, %dma_wait3A_635] : memref<2x4x128x64xf32, #tpu.memory_space<vmem>> -> memref<1x1x128x64xf32, #tpu.memory_space<vmem>>
      %dma_wait3A_637 = tpu.memref_squeeze %dma_wait3A_636 : memref<1x1x128x64xf32, #tpu.memory_space<vmem>> -> memref<128x64xf32, #tpu.memory_space<vmem>>
      %dma_wait3A_638 = arith.constant 0 : i32
      %dma_wait3A_639 = arith.constant 0 : i32
      %dma_wait3A_640 = tpu.memref_slice %arg3[%dma_wait3A_638, %dma_wait3A_639] : memref<1000000x64xf32, #tpu.memory_space<hbm>> -> memref<128x64xf32, #tpu.memory_space<hbm>>
      tpu.wait_dma2 semaphore(%arg9 : memref<!tpu.dma_semaphore, #tpu.memory_space<semaphore_mem>>) src(%dma_wait3A_640 : memref<128x64xf32, #tpu.memory_space<hbm>>) dst(%dma_wait3A_637 : memref<128x64xf32, #tpu.memory_space<vmem>>)
      %dma_wait3A_641 = arith.constant 1 : i32
      %dma_wait3A_642 = arith.constant 1 : i32
      %dma_wait3A_643 = arith.constant 0 : i32
      %dma_wait3A_644 = arith.constant 0 : i32
      %dma_wait3A_645 = tpu.memref_slice %arg7[%dma_wait3A_641, %dma_wait3A_642, %dma_wait3A_643, %dma_wait3A_644] : memref<2x4x128x64xf32, #tpu.memory_space<vmem>> -> memref<1x1x128x64xf32, #tpu.memory_space<vmem>>
      %dma_wait3A_646 = tpu.memref_squeeze %dma_wait3A_645 : memref<1x1x128x64xf32, #tpu.memory_space<vmem>> -> memref<128x64xf32, #tpu.memory_space<vmem>>
      %dma_wait3A_647 = arith.constant 0 : i32
      %dma_wait3A_648 = arith.constant 0 : i32
      %dma_wait3A_649 = tpu.memref_slice %arg3[%dma_wait3A_647, %dma_wait3A_648] : memref<1000000x64xf32, #tpu.memory_space<hbm>> -> memref<128x64xf32, #tpu.memory_space<hbm>>
      %dma_wait3A_650 = arith.constant 0 : i32
      %dma_wait3A_651 = arith.constant 0 : i32
      %dma_wait3A_652 = tpu.memref_slice %arg7[%dma_wait3A_641, %dma_wait3A_642, %dma_wait3A_650, %dma_wait3A_651] : memref<2x4x128x64xf32, #tpu.memory_space<vmem>> -> memref<1x1x128x64xf32, #tpu.memory_space<vmem>>
      %dma_wait3A_653 = tpu.memref_squeeze %dma_wait3A_652 : memref<1x1x128x64xf32, #tpu.memory_space<vmem>> -> memref<128x64xf32, #tpu.memory_space<vmem>>
      %dma_wait3A_654 = arith.constant 0 : i32
      %dma_wait3A_655 = arith.constant 0 : i32
      %dma_wait3A_656 = tpu.memref_slice %arg3[%dma_wait3A_654, %dma_wait3A_655] : memref<1000000x64xf32, #tpu.memory_space<hbm>> -> memref<128x64xf32, #tpu.memory_space<hbm>>
      tpu.wait_dma2 semaphore(%arg9 : memref<!tpu.dma_semaphore, #tpu.memory_space<semaphore_mem>>) src(%dma_wait3A_656 : memref<128x64xf32, #tpu.memory_space<hbm>>) dst(%dma_wait3A_653 : memref<128x64xf32, #tpu.memory_space<vmem>>)
      %dma_wait3A_657 = arith.constant 1 : i32
      %dma_wait3A_658 = arith.constant 2 : i32
      %dma_wait3A_659 = arith.constant 0 : i32
      %dma_wait3A_660 = arith.constant 0 : i32
      %dma_wait3A_661 = tpu.memref_slice %arg7[%dma_wait3A_657, %dma_wait3A_658, %dma_wait3A_659, %dma_wait3A_660] : memref<2x4x128x64xf32, #tpu.memory_space<vmem>> -> memref<1x1x128x64xf32, #tpu.memory_space<vmem>>
      %dma_wait3A_662 = tpu.memref_squeeze %dma_wait3A_661 : memref<1x1x128x64xf32, #tpu.memory_space<vmem>> -> memref<128x64xf32, #tpu.memory_space<vmem>>
      %dma_wait3A_663 = arith.constant 0 : i32
      %dma_wait3A_664 = arith.constant 0 : i32
      %dma_wait3A_665 = tpu.memref_slice %arg3[%dma_wait3A_663, %dma_wait3A_664] : memref<1000000x64xf32, #tpu.memory_space<hbm>> -> memref<128x64xf32, #tpu.memory_space<hbm>>
      %dma_wait3A_666 = arith.constant 0 : i32
      %dma_wait3A_667 = arith.constant 0 : i32
      %dma_wait3A_668 = tpu.memref_slice %arg7[%dma_wait3A_657, %dma_wait3A_658, %dma_wait3A_666, %dma_wait3A_667] : memref<2x4x128x64xf32, #tpu.memory_space<vmem>> -> memref<1x1x128x64xf32, #tpu.memory_space<vmem>>
      %dma_wait3A_669 = tpu.memref_squeeze %dma_wait3A_668 : memref<1x1x128x64xf32, #tpu.memory_space<vmem>> -> memref<128x64xf32, #tpu.memory_space<vmem>>
      %dma_wait3A_670 = arith.constant 0 : i32
      %dma_wait3A_671 = arith.constant 0 : i32
      %dma_wait3A_672 = tpu.memref_slice %arg3[%dma_wait3A_670, %dma_wait3A_671] : memref<1000000x64xf32, #tpu.memory_space<hbm>> -> memref<128x64xf32, #tpu.memory_space<hbm>>
      tpu.wait_dma2 semaphore(%arg9 : memref<!tpu.dma_semaphore, #tpu.memory_space<semaphore_mem>>) src(%dma_wait3A_672 : memref<128x64xf32, #tpu.memory_space<hbm>>) dst(%dma_wait3A_669 : memref<128x64xf32, #tpu.memory_space<vmem>>)
      %dma_wait3A_673 = arith.constant 1 : i32
      %dma_wait3A_674 = arith.constant 3 : i32
      %dma_wait3A_675 = arith.constant 0 : i32
      %dma_wait3A_676 = arith.constant 0 : i32
      %dma_wait3A_677 = tpu.memref_slice %arg7[%dma_wait3A_673, %dma_wait3A_674, %dma_wait3A_675, %dma_wait3A_676] : memref<2x4x128x64xf32, #tpu.memory_space<vmem>> -> memref<1x1x128x64xf32, #tpu.memory_space<vmem>>
      %dma_wait3A_678 = tpu.memref_squeeze %dma_wait3A_677 : memref<1x1x128x64xf32, #tpu.memory_space<vmem>> -> memref<128x64xf32, #tpu.memory_space<vmem>>
      %dma_wait3A_679 = arith.constant 0 : i32
      %dma_wait3A_680 = arith.constant 0 : i32
      %dma_wait3A_681 = tpu.memref_slice %arg3[%dma_wait3A_679, %dma_wait3A_680] : memref<1000000x64xf32, #tpu.memory_space<hbm>> -> memref<128x64xf32, #tpu.memory_space<hbm>>
      %dma_wait3A_682 = arith.constant 0 : i32
      %dma_wait3A_683 = arith.constant 0 : i32
      %dma_wait3A_684 = tpu.memref_slice %arg7[%dma_wait3A_673, %dma_wait3A_674, %dma_wait3A_682, %dma_wait3A_683] : memref<2x4x128x64xf32, #tpu.memory_space<vmem>> -> memref<1x1x128x64xf32, #tpu.memory_space<vmem>>
      %dma_wait3A_685 = tpu.memref_squeeze %dma_wait3A_684 : memref<1x1x128x64xf32, #tpu.memory_space<vmem>> -> memref<128x64xf32, #tpu.memory_space<vmem>>
      %dma_wait3A_686 = arith.constant 0 : i32
      %dma_wait3A_687 = arith.constant 0 : i32
      %dma_wait3A_688 = tpu.memref_slice %arg3[%dma_wait3A_686, %dma_wait3A_687] : memref<1000000x64xf32, #tpu.memory_space<hbm>> -> memref<128x64xf32, #tpu.memory_space<hbm>>
      tpu.wait_dma2 semaphore(%arg9 : memref<!tpu.dma_semaphore, #tpu.memory_space<semaphore_mem>>) src(%dma_wait3A_688 : memref<128x64xf32, #tpu.memory_space<hbm>>) dst(%dma_wait3A_685 : memref<128x64xf32, #tpu.memory_space<vmem>>)
      %dma_start3A_689 = arith.constant 1 : i32
      %dma_start3A_690 = arith.constant 0 : i32
      %dma_start3A_691 = arith.constant 0 : i32
      %dma_start3A_692 = arith.constant 0 : i32
      %dma_start3A_693 = tpu.memref_slice %arg7[%dma_start3A_689, %dma_start3A_690, %dma_start3A_691, %dma_start3A_692] : memref<2x4x128x64xf32, #tpu.memory_space<vmem>> -> memref<1x4x128x64xf32, #tpu.memory_space<vmem>>
      %dma_start3A_694 = tpu.memref_squeeze %dma_start3A_693 : memref<1x4x128x64xf32, #tpu.memory_space<vmem>> -> memref<4x128x64xf32, #tpu.memory_space<vmem>>
      %dma_start3A_695 = arith.constant 0 : i32
      %dma_start3A_696 = arith.constant 0 : i32
      %dma_start3A_697 = arith.constant 0 : i32
      %dma_start3A_698 = tpu.memref_slice %arg4[%add3A, %add3A_617, %dma_start3A_695, %dma_start3A_696, %dma_start3A_697] : memref<32x50x4x128x64xf32, #tpu.memory_space<hbm>> -> memref<1x1x4x128x64xf32, #tpu.memory_space<hbm>>
      %dma_start3A_699 = tpu.memref_squeeze %dma_start3A_698 : memref<1x1x4x128x64xf32, #tpu.memory_space<hbm>> -> memref<4x128x64xf32, #tpu.memory_space<hbm>>
      %dma_start3A_700 = arith.constant 0 : i32
      %dma_start3A_701 = arith.constant 0 : i32
      %dma_start3A_702 = arith.constant 0 : i32
      %dma_start3A_703 = tpu.memref_slice %arg4[%add3A, %add3A_617, %dma_start3A_700, %dma_start3A_701, %dma_start3A_702] : memref<32x50x4x128x64xf32, #tpu.memory_space<hbm>> -> memref<1x1x4x128x64xf32, #tpu.memory_space<hbm>>
      %dma_start3A_704 = tpu.memref_squeeze %dma_start3A_703 : memref<1x1x4x128x64xf32, #tpu.memory_space<hbm>> -> memref<4x128x64xf32, #tpu.memory_space<hbm>>
      %dma_start3A_705 = arith.constant 0 : i32
      %dma_start3A_706 = arith.constant 0 : i32
      %dma_start3A_707 = arith.constant 0 : i32
      %dma_start3A_708 = tpu.memref_slice %arg7[%dma_start3A_689, %dma_start3A_705, %dma_start3A_706, %dma_start3A_707] : memref<2x4x128x64xf32, #tpu.memory_space<vmem>> -> memref<1x4x128x64xf32, #tpu.memory_space<vmem>>
      %dma_start3A_709 = tpu.memref_squeeze %dma_start3A_708 : memref<1x4x128x64xf32, #tpu.memory_space<vmem>> -> memref<4x128x64xf32, #tpu.memory_space<vmem>>
      tpu.enqueue_dma source(%dma_start3A_709 : memref<4x128x64xf32, #tpu.memory_space<vmem>>) target(%dma_start3A_704 : memref<4x128x64xf32, #tpu.memory_space<hbm>>) target_semaphore(%arg11 : memref<!tpu.dma_semaphore, #tpu.memory_space<semaphore_mem>>)
    }
    %scan3A_474 = arith.constant 25 : i32
    %dma_wait3A = arith.constant 0 : i32
    %dma_wait3A_475 = arith.constant 0 : i32
    %dma_wait3A_476 = arith.constant 0 : i32
    %dma_wait3A_477 = arith.constant 0 : i32
    %dma_wait3A_478 = arith.constant 0 : i32
    %dma_wait3A_479 = arith.constant 0 : i32
    %dma_wait3A_480 = tpu.memref_slice %arg7[%dma_wait3A, %dma_wait3A_477, %dma_wait3A_478, %dma_wait3A_479] : memref<2x4x128x64xf32, #tpu.memory_space<vmem>> -> memref<1x4x128x64xf32, #tpu.memory_space<vmem>>
    %dma_wait3A_481 = tpu.memref_squeeze %dma_wait3A_480 : memref<1x4x128x64xf32, #tpu.memory_space<vmem>> -> memref<4x128x64xf32, #tpu.memory_space<vmem>>
    %dma_wait3A_482 = arith.constant 0 : i32
    %dma_wait3A_483 = arith.constant 0 : i32
    %dma_wait3A_484 = arith.constant 0 : i32
    %dma_wait3A_485 = tpu.memref_slice %arg4[%dma_wait3A_475, %dma_wait3A_476, %dma_wait3A_482, %dma_wait3A_483, %dma_wait3A_484] : memref<32x50x4x128x64xf32, #tpu.memory_space<hbm>> -> memref<1x1x4x128x64xf32, #tpu.memory_space<hbm>>
    %dma_wait3A_486 = tpu.memref_squeeze %dma_wait3A_485 : memref<1x1x4x128x64xf32, #tpu.memory_space<hbm>> -> memref<4x128x64xf32, #tpu.memory_space<hbm>>
    %dma_wait3A_487 = arith.constant 0 : i32
    %dma_wait3A_488 = arith.constant 0 : i32
    %dma_wait3A_489 = arith.constant 0 : i32
    %dma_wait3A_490 = tpu.memref_slice %arg4[%dma_wait3A_475, %dma_wait3A_476, %dma_wait3A_487, %dma_wait3A_488, %dma_wait3A_489] : memref<32x50x4x128x64xf32, #tpu.memory_space<hbm>> -> memref<1x1x4x128x64xf32, #tpu.memory_space<hbm>>
    %dma_wait3A_491 = tpu.memref_squeeze %dma_wait3A_490 : memref<1x1x4x128x64xf32, #tpu.memory_space<hbm>> -> memref<4x128x64xf32, #tpu.memory_space<hbm>>
    %dma_wait3A_492 = arith.constant 0 : i32
    %dma_wait3A_493 = arith.constant 0 : i32
    %dma_wait3A_494 = arith.constant 0 : i32
    %dma_wait3A_495 = tpu.memref_slice %arg7[%dma_wait3A, %dma_wait3A_492, %dma_wait3A_493, %dma_wait3A_494] : memref<2x4x128x64xf32, #tpu.memory_space<vmem>> -> memref<1x4x128x64xf32, #tpu.memory_space<vmem>>
    %dma_wait3A_496 = tpu.memref_squeeze %dma_wait3A_495 : memref<1x4x128x64xf32, #tpu.memory_space<vmem>> -> memref<4x128x64xf32, #tpu.memory_space<vmem>>
    tpu.wait_dma2 semaphore(%arg10 : memref<!tpu.dma_semaphore, #tpu.memory_space<semaphore_mem>>) src(%dma_wait3A_496 : memref<4x128x64xf32, #tpu.memory_space<vmem>>) dst(%dma_wait3A_491 : memref<4x128x64xf32, #tpu.memory_space<hbm>>)
    %dma_wait3A_497 = arith.constant 1 : i32
    %dma_wait3A_498 = arith.constant 0 : i32
    %dma_wait3A_499 = arith.constant 0 : i32
    %dma_wait3A_500 = arith.constant 0 : i32
    %dma_wait3A_501 = arith.constant 0 : i32
    %dma_wait3A_502 = arith.constant 0 : i32
    %dma_wait3A_503 = tpu.memref_slice %arg7[%dma_wait3A_497, %dma_wait3A_500, %dma_wait3A_501, %dma_wait3A_502] : memref<2x4x128x64xf32, #tpu.memory_space<vmem>> -> memref<1x4x128x64xf32, #tpu.memory_space<vmem>>
    %dma_wait3A_504 = tpu.memref_squeeze %dma_wait3A_503 : memref<1x4x128x64xf32, #tpu.memory_space<vmem>> -> memref<4x128x64xf32, #tpu.memory_space<vmem>>
    %dma_wait3A_505 = arith.constant 0 : i32
    %dma_wait3A_506 = arith.constant 0 : i32
    %dma_wait3A_507 = arith.constant 0 : i32
    %dma_wait3A_508 = tpu.memref_slice %arg4[%dma_wait3A_498, %dma_wait3A_499, %dma_wait3A_505, %dma_wait3A_506, %dma_wait3A_507] : memref<32x50x4x128x64xf32, #tpu.memory_space<hbm>> -> memref<1x1x4x128x64xf32, #tpu.memory_space<hbm>>
    %dma_wait3A_509 = tpu.memref_squeeze %dma_wait3A_508 : memref<1x1x4x128x64xf32, #tpu.memory_space<hbm>> -> memref<4x128x64xf32, #tpu.memory_space<hbm>>
    %dma_wait3A_510 = arith.constant 0 : i32
    %dma_wait3A_511 = arith.constant 0 : i32
    %dma_wait3A_512 = arith.constant 0 : i32
    %dma_wait3A_513 = tpu.memref_slice %arg4[%dma_wait3A_498, %dma_wait3A_499, %dma_wait3A_510, %dma_wait3A_511, %dma_wait3A_512] : memref<32x50x4x128x64xf32, #tpu.memory_space<hbm>> -> memref<1x1x4x128x64xf32, #tpu.memory_space<hbm>>
    %dma_wait3A_514 = tpu.memref_squeeze %dma_wait3A_513 : memref<1x1x4x128x64xf32, #tpu.memory_space<hbm>> -> memref<4x128x64xf32, #tpu.memory_space<hbm>>
    %dma_wait3A_515 = arith.constant 0 : i32
    %dma_wait3A_516 = arith.constant 0 : i32
    %dma_wait3A_517 = arith.constant 0 : i32
    %dma_wait3A_518 = tpu.memref_slice %arg7[%dma_wait3A_497, %dma_wait3A_515, %dma_wait3A_516, %dma_wait3A_517] : memref<2x4x128x64xf32, #tpu.memory_space<vmem>> -> memref<1x4x128x64xf32, #tpu.memory_space<vmem>>
    %dma_wait3A_519 = tpu.memref_squeeze %dma_wait3A_518 : memref<1x4x128x64xf32, #tpu.memory_space<vmem>> -> memref<4x128x64xf32, #tpu.memory_space<vmem>>
    tpu.wait_dma2 semaphore(%arg11 : memref<!tpu.dma_semaphore, #tpu.memory_space<semaphore_mem>>) src(%dma_wait3A_519 : memref<4x128x64xf32, #tpu.memory_space<vmem>>) dst(%dma_wait3A_514 : memref<4x128x64xf32, #tpu.memory_space<hbm>>)
    return
  }
}

</mosaic_0001>

<sc_bundles>
// kernel: kernel.3.cloned.1.call-start
scs
__scs_entry_jumppad:
0x0: {  	(pc) =	sbr.rel $0x88, $3  }
0x1: {  	(tag) =	ssettag $0x0;
	lr =	simm.s32 $0x1  }
0x2: {  	[smem:$0x3F9F] =	sst lr;
	_ =	strace $0xD0000000  }
0x3: {  	_ = 	snop  }
0x4: {  	_ = 	snop  }
0x5: {  	_ = 	snop  }
0x6: {  	_ = 	snop  }
0x7: {  	_ = 	snop  }
__scs_overlays_trampoline_lowered:
0x8: {  	[smem:$0x3FAE] =	sst s0  }
0x9: {  	[smem:$0x3FAF] =	sst s1  }
0xa: {  	[smem:$0x3FB0] =	sst s2  }
0xb: {  	[smem:$0x3FB1] =	sst s3  }
0xc: {  	[smem:$0x3FB2] =	sst s4  }
0xd: {  	[smem:$0x3FB3] =	sst s5  }
0xe: {  	[smem:$0x3FB4] =	sst s6  }
0xf: {  	[smem:$0x3FB5] =	sst s7  }
0x10: {  	[smem:$0x3FB6] =	sst s8  }
0x11: {  	[smem:$0x3FB7] =	sst s9;
	s0 =	simm.s32 @!p0 $0x0  }
0x12: {  	s1 =	sld [smem:$0x3F9D];
	s0 =	simm.s32 @p0 $0x1  }
0x13: {  	[smem:$0x3FB8] =	sst s0;
	s0 =	simm.s32 @!p1 $0x0  }
0x14: {  	s2 =	sld [smem:$0x3F9C];
	s0 =	simm.s32 @p1 $0x1  }
0x15: {  	[smem:$0x3FB9] =	sst s0;
	s0 =	simm.s32 @!p2 $0x0  }
0x16: {  	s3 =	sld [smem:$0x3FDB];
	s0 =	simm.s32 @p2 $0x1  }
0x17: {  	s4 =	simm.s32 $0x1BF5;
	[smem:$0x3FBB] =	sst s0  }
0x18: {  	s0 =	sld [smem:$0x3F9E];
	_ =	swait.ge [sflag:s4], $0x0  }
0x19: {  	s7 =	sld [smem:$0x3F9F]  }
0x1a: {  	s8 =	sadd.s32 $0xFFFFE003, lr  }
0x1b: {  	s9 =	sadd.s32 $0xFFFFFEF7, lr;
	s5 =	simm.s32 $0xFFFFFFFF;
	p2 =	slt.u32 s8, $0xFFFFF086  }
0x1c: {  	p1 =	slt.u32 s9, $0xF7A;
	s5 =	simm.s32 @!p2 $0x0  }
0x1d: {  	s5 =	simm.s32 @p1 $0x1;
	p0 =	seq.s32 s7, s2  }
0x1e: {  	s7 =	smul.u32 @!p0 $0xF7A, s2;
	p2 =	seq.s32 @!p0 s5, $0x0  }
0x1f: {  	s9 =	smul.u32 $0xF7A, s1;
	s8 =	simm.s32 @!p0 $0x1BF5;
	p2 =	por !p2, p0  }
0x20: {  	[sflag:s8] =	ssyncset.s32 @!p0 $0xFFFFF086;
	s6 =	sadd.s32 @!p0 s3, s7;
	s7 =	simm.s32 @!p0 $0x108  }
0x21: {  	s3 =	sadd.s32 s3, s9;
	s6 =	sadd.s32 @!p0 $0x88, s6;
	s7 =	simm.s32 @p2 $0x1082  }
0x22: {  	[simem:s7], [sflag:s8] =	dma.local @!p0 [hbm:s6], $0xF7A  }
0x23: {  	s9 =	sor.u32 $0xD0000000, s2;
	s6 =	simm.s32 $0x108;
	_ =	swait.ge @!p0 [sflag:s8], $0x0  }
0x24: {  	s3 =	sadd.s32 $0x88, s3;
	s6 =	simm.s32 @!p1 $0x1082;
	[sflag:s4] =	ssyncset.s32 $0xFFFFF086  }
0x25: {  	[simem:s6], [sflag:s4] =	dma.local [hbm:s3], $0xF7A  }
0x26: {  	[smem:$0x3F9F] =	sst s1;
	(tag) =	ssettag s2;
	_ =	strace s9  }
0x27: {  	s1 =	sld [smem:$0x3FAF]  }
0x28: {  	s2 =	sld [smem:$0x3FB0]  }
0x29: {  	s4 =	sld [smem:$0x3FB2]  }
0x2a: {  	p0 =	seq.s32 s5, $0x0;
	s5 =	sld [smem:$0x3FB3]  }
0x2b: {  	s6 =	sld [smem:$0x3FB4]  }
0x2c: {  	s7 =	sld [smem:$0x3FB5]  }
0x2d: {  	s3 =	simm.s32 $0x108;
	s8 =	sld [smem:$0x3FB6]  }
0x2e: {  	s3 =	simm.s32 @!p0 $0x1082;
	s9 =	sld [smem:$0x3FB7]  }
0x2f: {  	lr =	sadd.s32 s0, s3;
	s0 =	sld [smem:$0x3FAE]  }
0x30: {  	s3 =	sld [smem:$0x3FB1]  }
0x31: {  	[smem:$0x3FBA] =	sst s10  }
0x32: {  	s10 =	sld [smem:$0x3FB8];
	_ =	sdelay $0x3  }
0x33: {  	p0 =	seq.s32 s10, $0x1;
	s10 =	sld [smem:$0x3FBA];
	_ =	sdelay $0x3  }
0x34: {  	[smem:$0x3FBA] =	sst s10  }
0x35: {  	s10 =	sld [smem:$0x3FB9];
	_ =	sdelay $0x3  }
0x36: {  	p1 =	seq.s32 s10, $0x1;
	s10 =	sld [smem:$0x3FBA];
	_ =	sdelay $0x3  }
0x37: {  	[smem:$0x3FBA] =	sst s10  }
0x38: {  	s10 =	sld [smem:$0x3FBB]  }
0x39: {  	_ = 	snop;
	(pc) =	sbr.ind lr, $3  }
0x3a: {  	_ = 	snop  }
0x3b: {  	_ = 	snop  }
0x3c: {  	p2 =	seq.s32 s10, $0x1;
	s10 =	sld [smem:$0x3FBA]  }
0x3d: {  	_ =	shalt  }
0x3e: {  	_ =	shalt  }
0x3f: {  	_ =	shalt  }
0x40: {  	_ =	shalt  }
0x41: {  	_ =	shalt  }
0x42: {  	_ =	shalt  }
0x43: {  	_ =	shalt  }
0x44: {  	_ =	shalt  }
0x45: {  	_ =	shalt  }
0x46: {  	_ =	shalt  }
0x47: {  	_ =	shalt  }
0x48: {  	_ =	shalt  }
0x49: {  	_ =	shalt  }
0x4a: {  	_ =	shalt  }
0x4b: {  	_ =	shalt  }
0x4c: {  	_ =	shalt  }
0x4d: {  	_ =	shalt  }
0x4e: {  	_ =	shalt  }
0x4f: {  	_ =	shalt  }
0x50: {  	_ =	shalt  }
0x51: {  	_ =	shalt  }
0x52: {  	_ =	shalt  }
0x53: {  	_ =	shalt  }
0x54: {  	_ =	shalt  }
0x55: {  	_ =	shalt  }
0x56: {  	_ =	shalt  }
0x57: {  	_ =	shalt  }
0x58: {  	_ =	shalt  }
0x59: {  	_ =	shalt  }
0x5a: {  	_ =	shalt  }
0x5b: {  	_ =	shalt  }
0x5c: {  	_ =	shalt  }
0x5d: {  	_ =	shalt  }
0x5e: {  	_ =	shalt  }
0x5f: {  	_ =	shalt  }
0x60: {  	_ =	shalt  }
0x61: {  	_ =	shalt  }
0x62: {  	_ =	shalt  }
0x63: {  	_ =	shalt  }
0x64: {  	_ =	shalt  }
0x65: {  	_ =	shalt  }
0x66: {  	_ =	shalt  }
0x67: {  	_ =	shalt  }
0x68: {  	_ =	shalt  }
0x69: {  	_ =	shalt  }
0x6a: {  	_ =	shalt  }
0x6b: {  	_ =	shalt  }
0x6c: {  	_ =	shalt  }
0x6d: {  	_ =	shalt  }
0x6e: {  	_ =	shalt  }
0x6f: {  	_ =	shalt  }
0x70: {  	_ =	shalt  }
0x71: {  	_ =	shalt  }
0x72: {  	_ =	shalt  }
0x73: {  	_ =	shalt  }
0x74: {  	_ =	shalt  }
0x75: {  	_ =	shalt  }
0x76: {  	_ =	shalt  }
0x77: {  	_ =	shalt  }
0x78: {  	_ =	shalt  }
0x79: {  	_ =	shalt  }
0x7a: {  	_ =	shalt  }
0x7b: {  	_ =	shalt  }
0x7c: {  	_ =	shalt  }
0x7d: {  	_ =	shalt  }
0x7e: {  	_ =	shalt  }
0x7f: {  	_ =	shalt  }
0x80: {  	_ =	shalt  }
0x81: {  	_ =	shalt  }
0x82: {  	_ =	shalt  }
0x83: {  	_ =	shalt  }
0x84: {  	_ =	shalt  }
0x85: {  	_ =	shalt  }
0x86: {  	_ =	shalt  }
0x87: {  	_ =	shalt  }
.Lfunc_end0:
.L_simem_size_0:
called_computation.1_lowered:
.L_overlay_start_0:
0x88: {  	s2 =	sld [smem:$0x3FD9]  }
0x89: {  	s3 =	sld [smem:$0x3FFE];
	_ =	sdelay $0x1  }
0x8a: {  	s1 =	srdreg.scid  }
0x8b: {  	s0 =	sand.u32 $0x1, s1  }
0x8c: {  	s17 =	sshll.u32 s0, $0xA;
	s2 =	sadd.s32 s3, s2  }
0x8d: {  	s2 =	sadd.s32 s2, s17  }
0x8e: {  	[smem:$0x3FC6] =	sst s2  }
0x8f: {  	_ = 	snop  }
0x90: {  	s2 =	sld [smem:$0x3FD0];
	(tm) =	ssettm $0x1  }
0x91: {  	s18 =	sld [smem:$0x3FFB];
	_ =	sdelay $0x3  }
0x92: {  	_ =	strace s18  }
0x93: {  	s3 =	sld [smem:$0x3FFC];
	_ =	sdelay $0x3  }
0x94: {  	_ =	strace s3  }
0x95: {  	s3 =	sld [smem:$0x3FFD];
	_ =	sdelay $0x3  }
0x96: {  	_ =	strace s3  }
0x97: {  	_ =	strace $0x8FFFFFFF  }
0x98: {  	s19 =	sld [smem:$0x3FDB];
	_ =	sdelay $0x1  }
0x99: {  	s4 =	simm.s32 $_scs_section_size  }
0x9a: {  	s5 =	simm.s32 $_size__tile_overlayer_lowered;
	s6 =	simm.s32 $_tile_overlayer_lowered  }
0x9b: {  	s22 =	simm.s32 $0x1BFF;
	s21 =	sshll.u32 s6, $0x1;
	s3 =	sadd.s32 s4, s19  }
0x9c: {  	s7 =	simm.s32 $0x0;
	s20 =	sshll.u32 s5, $0x1;
	s5 =	sadd.s32 s21, s3  }
0x9d: {  	[timem:s7], [sflag:s22] =	dma.local [hbm:s5], s20  }
0x9e: {  	_ =	swait.ge [sflag:s22], s20  }
0x9f: {  	s4 =	ssub.s32 $0x0, s20;
	[sflag:s22] =	ssyncset.done $0x0  }
0xa0: {  	[sflag:s22] =	ssyncadd.s32 s4;
	_ =	sdelay $0x1  }
0xa1: {  	s23 =	simm.s32 $0x1B8B  }
0xa2: {  	_ =	swait.ge [sflag:s23], $0x1  }
0xa3: {  	[sflag:s23] =	ssyncset.done $0x0  }
0xa4: {  	s25 =	simm.s32 $0x1B8E;
	s24 =	sld [smem:$0x3FFE];
	[sflag:s23] =	ssyncadd.s32 $0xFFFFFFFF  }
0xa5: {  	s26 =	simm.s32 $execute0_lowered;
	[smem:$0x3FD2] =	sst s25  }
0xa6: {  	s5 =	sshll.u32 s26, $0x1;
	_ =	strace $0x80000046;
	[dreg:$0x1] =	wrdreg $0xFFFFFFFF  }
0xa7: {  	s28 =	simm.s32 $_size_execute0_lowered;
	s3 =	sadd.s32 s3, s5;
	[dreg:$0x0] =	wrdreg $0x0  }
0xa8: {  	s5 =	sshll.u32 s28, $0x1;
	[dreg:$0x2] =	wrdreg s3  }
0xa9: {  	[dreg:$0x3] =	wrdreg s5  }
0xaa: {  	[dreg:$0x4] =	wrdreg $0xC0  }
0xab: {  	_ =	task [dreg:s7], $0x5FFFF  }
0xac: {  	[dreg:$0x1] =	wrdreg $0xFFFFFFFF  }
0xad: {  	[dreg:$0x0] =	wrdreg $0x60  }
0xae: {  	[dreg:$0x2] =	wrdreg s24  }
0xaf: {  	[dreg:$0x3] =	wrdreg s2  }
0xb0: {  	[dreg:$0x4] =	wrdreg $0x9  }
0xb1: {  	_ =	task.clear_ibuf [dreg:s7], $0x5FFFF;
	_ =	strace $0x90000046  }
0xb2: {  	s29 =	simm.s32 $0x9;
	_ =	strace $0x80000048  }
0xb3: {  	_ =	swait.ge [sflag:s29], $0x1  }
0xb4: {  	[sflag:s29] =	ssyncadd.s32 $0xFFFFFFFF  }
0xb5: {  	_ =	strace $0x90000048  }
0xb6: {  	_ =	sfence  }
0xb7: {  	s30 =	sld [smem:$0x0];
	_ =	sdelay $0x2  }
0xb8: {  	s31 =	sshll.u32 s1, $0xD;
	s1 =	sshrl.u32 s1, $0x2  }
0xb9: {  	s3 =	sand.u32 $0x4000, s31;
	s1 =	sadd.s32 s1, s30  }
0xba: {  	s0 =	sor.u32 s3, s0;
	s1 =	sshll.u32 s1, $0x11  }
0xbb: {  	s0 =	sor.u32 s1, s0  }
0xbc: {  	s0 =	sadd.s32 $0x8F2B, s0  }
0xbd: {  	[sflag:s0] =	ssyncadd.remote.s32 $0x1  }
0xbe: {  	_ =	sfence.sel $0xFFFF  }
0xbf: {  	[dreg:$0x0] =	wrdreg $0xFFFFFFFF;
	(pc) =	sbr.abs _section_cstart, $3  }
0xc0: {  	[dreg:$0x1] =	wrdreg $0xFFFFFFFF  }
0xc1: {  	_ =	task.clear_ibuf [dreg:s7], $0x2FFFF;
	_ =	strace $0x9FFFFFFF  }
0xc2: {  	(tm) =	ssettm $0x7FFFFFFF  }
0xc3: {  	_ =	shalt  }
tec
execute0_lowered:
.L_overlay_start_1:
0x0: {  	(tag) =	ssettag $0x1  }
0x1: {  	s0 =	srdreg.scid  }
0x2: {  	s4 =	stileid.u32;
	s3 =	rddreg [dreg:$0x0]  }
0x3: {  	s7 =	rddreg [dreg:$0x1];
	s2 =	simm.s32 $0x0;
	s9 =	simm.s32 $0x80  }
0x4: {  	s10 =	simm.s32 $0x6400;
	s11 =	simm.s32 $0x6800;
	s12 =	simm.s32 $0x6480  }
0x5: {  	s13 =	simm.s32 $0x8800;
	s14 =	simm.s32 $0x6500;
	s15 =	simm.s32 $0xA800  }
0x6: {  	s16 =	simm.s32 $0x6580;
	s17 =	simm.s32 $0xC800;
	s18 =	simm.s32 $0x6600  }
0x7: {  	s19 =	simm.s32 $0xE800;
	s20 =	simm.s32 $0x6680;
	s21 =	simm.s32 $0x10800  }
0x8: {  	s22 =	simm.s32 $0x6700;
	s23 =	simm.s32 $0x12800;
	s28 =	simm.s32 $0x2  }
0x9: {  	s29 =	simm.s32 $0x3;
	s30 =	simm.s32 $0x4;
	s31 =	simm.s32 $0x0  }
0xa: {  	s0 =	sand.u32 $0x1, s0;
	s1 =	sshll.u32 s4, $0x1;
	s4 =	smul.u32 $0x320000, s4  }
0xb: {  	s1 =	sor.u32 s0, s1;
	s5 =	smul.u32 $0x190000, s0;
	s0 =	ssub.s32 $0x2, s0  }
0xc: {  	[smem:$0x7FF] =	sst s2;
	s1 =	smul.u32 $0xC80, s1;
	s24 =	sshrl.u32 s0, $0x1  }
0xd: {  	_ =	strace $0x80000047;
	s8 =	sadd.s32 s5, s4;
	s0 =	ssub.s32 s0, s24  }
.Ltmp0:
0xe: {  	s24 =	simm.s32 $0x6780;
	s1 =	sadd.s32 s1, s3;
	(pc) =	sbr.rel .LBB2_1-.Ltmp0, $4  }
0xf: {  	s3 =	sadd.s32 $0xF42E00, s3;
	s5 =	sor.u32 $0x8000, s8;
	s26 =	sshrl.u32 s8, $0x3  }
0x10: {  	s8 =	simm.s32 $0x5;
	s1 =	sadd.s32 $0xA00, s1;
	s25 =	sshrl.u32 s5, $0x3  }
0x11: {  	s5 =	smax.u32 s0, $0x1;
	[dreg:$0x3] =	wrdreg s1;
	s6 =	sadd.s32 s25, s7  }
0x12: {  	s7 =	sadd.s32 s26, s7;
	s25 =	simm.s32 $0x14800;
	s26 =	simm.s32 $0x1  }
.LBB2_5:
0x13: {  	s31 =	sadd.s32 $0x1, s31  }
0x14: {  	_ =	swait.ge [sflag:s29], $0x8000;
	p0 =	sne.s32 s31, s5  }
.Ltmp1:
0x15: {  	[sflag:s29] =	ssyncset.done $0x0;
	(pc) =	sbr.rel @!p0 .LBB2_6-.Ltmp1, $4  }
0x16: {  	[sflag:s29] =	ssyncadd.s32 $0xFFFF8000  }
0x17: {  	_ =	swait.ge [sflag:s30], $0x8000  }
0x18: {  	[sflag:s30] =	ssyncset.done $0x0  }
0x19: {  	[sflag:s30] =	ssyncadd.s32 $0xFFFF8000  }
.LBB2_1:
0x1a: {  	s0 =	rddreg [dreg:$0x3]  }
0x1b: {  	[tilespmem:s2], [sflag:$0x5] =	stream.linear.gather [hbm4b:s0+s2], $0x6400, $0x38;
	[tilespmem:$0x16800] =	vst v63  }
0x1c: {  	_ =	swait.ge [sflag:s8], $0x6400  }
0x1d: {  	[sflag:s8] =	ssyncset.done $0x0  }
0x1e: {  	[sflag:s8] =	ssyncadd.s32 $0xFFFF9C00  }
0x1f: {  	v0 =	vld [tilespmem:$0x0]  }
0x20: {  	v1 =	vld [tilespmem:$0x10]  }
0x21: {  	v2 =	vld [tilespmem:$0x20]  }
0x22: {  	v3 =	vld [tilespmem:$0x30]  }
0x23: {  	v4 =	vld [tilespmem:$0x40]  }
0x24: {  	v37 =	vld [tilespmem:$0x50];
	[tilespmem:$0x6400] =	vst v0  }
0x25: {  	v38 =	vld [tilespmem:$0x60];
	[tilespmem:$0x6410] =	vst v1  }
0x26: {  	v39 =	vld [tilespmem:$0x70];
	[tilespmem:$0x6420] =	vst v2  }
0x27: {  	v40 =	vld [tilespmem:$0x80];
	[tilespmem:$0x6430] =	vst v3  }
0x28: {  	v41 =	vld [tilespmem:$0x90];
	[tilespmem:$0x6440] =	vst v4  }
0x29: {  	v42 =	vld [tilespmem:$0xA0];
	[tilespmem:$0x6450] =	vst v37  }
0x2a: {  	v43 =	vld [tilespmem:$0xB0];
	[tilespmem:$0x6460] =	vst v38  }
0x2b: {  	v44 =	vld [tilespmem:$0xC0];
	[tilespmem:$0x6470] =	vst v39  }
0x2c: {  	v45 =	vld [tilespmem:$0xD0];
	[tilespmem:$0x6480] =	vst v40  }
0x2d: {  	v46 =	vld [tilespmem:$0xE0];
	[tilespmem:$0x6490] =	vst v41  }
0x2e: {  	v47 =	vld [tilespmem:$0xF0];
	[tilespmem:$0x64A0] =	vst v42  }
0x2f: {  	v48 =	vld [tilespmem:$0x100];
	[tilespmem:$0x64B0] =	vst v43  }
0x30: {  	v49 =	vld [tilespmem:$0x110];
	[tilespmem:$0x64C0] =	vst v44  }
0x31: {  	v50 =	vld [tilespmem:$0x120];
	[tilespmem:$0x64D0] =	vst v45  }
0x32: {  	v51 =	vld [tilespmem:$0x130];
	[tilespmem:$0x64E0] =	vst v46  }
0x33: {  	v52 =	vld [tilespmem:$0x140];
	[tilespmem:$0x64F0] =	vst v47  }
0x34: {  	v53 =	vld [tilespmem:$0x150];
	[tilespmem:$0x6500] =	vst v48  }
0x35: {  	v54 =	vld [tilespmem:$0x160];
	[tilespmem:$0x6510] =	vst v49  }
0x36: {  	v55 =	vld [tilespmem:$0x170];
	[tilespmem:$0x6520] =	vst v50  }
0x37: {  	v56 =	vld [tilespmem:$0x180];
	[tilespmem:$0x6530] =	vst v51  }
0x38: {  	v57 =	vld [tilespmem:$0x190];
	[tilespmem:$0x6540] =	vst v52  }
0x39: {  	v58 =	vld [tilespmem:$0x1A0];
	[tilespmem:$0x6550] =	vst v53  }
0x3a: {  	v59 =	vld [tilespmem:$0x1B0];
	[tilespmem:$0x6560] =	vst v54  }
0x3b: {  	v60 =	vld [tilespmem:$0x1C0];
	[tilespmem:$0x6570] =	vst v55  }
0x3c: {  	v61 =	vld [tilespmem:$0x1D0];
	[tilespmem:$0x6580] =	vst v56  }
0x3d: {  	v62 =	vld [tilespmem:$0x1E0];
	[tilespmem:$0x6590] =	vst v57  }
0x3e: {  	v63 =	vld [tilespmem:$0x1F0];
	[tilespmem:$0x65A0] =	vst v58  }
0x3f: {  	[tilespmem:$0x65B0] =	vst v59  }
0x40: {  	[tilespmem:$0x65C0] =	vst v60  }
0x41: {  	[tilespmem:$0x65D0] =	vst v61  }
0x42: {  	[tilespmem:$0x65E0] =	vst v62  }
0x43: {  	[tilespmem:$0x65F0] =	vst v63  }
0x44: {  	[tilespmem:s11], [sflag:$0x1] =	stream.indirect.gather [hbm4b:s3+s9], $0x40, s10, s9, $0xb8;
	[tilespmem:$0x16800] =	vst v63  }
0x45: {  	_ = 	snop  }
0x46: {  	[tilespmem:s13], [sflag:$0x1] =	stream.indirect.gather [hbm4b:s3+s9], $0x40, s12, s9, $0xb8;
	[tilespmem:$0x16800] =	vst v63  }
.Ltmp2:
0x47: {  	_ = 	snop;
	(pc) =	sbr.rel .LBB2_2-.Ltmp2, $4  }
0x48: {  	_ = 	snop  }
0x49: {  	[tilespmem:s15], [sflag:$0x1] =	stream.indirect.gather [hbm4b:s3+s9], $0x40, s14, s9, $0xb8;
	[tilespmem:$0x16800] =	vst v63  }
0x4a: {  	s1 =	simm.s32 $0x300;
	s0 =	simm.s32 $0x0  }
0x4b: {  	[tilespmem:s17], [sflag:$0x1] =	stream.indirect.gather [hbm4b:s3+s9], $0x40, s16, s9, $0xb8;
	[tilespmem:$0x16800] =	vst v63  }
.LBB2_4:
0x4c: {  	_ =	swait.ge [sflag:s28], $0x2000  }
0x4d: {  	[sflag:s28] =	ssyncset.done $0x0  }
0x4e: {  	[sflag:s28] =	ssyncadd.s32 $0xFFFFE000  }
0x4f: {  	_ =	swait.ge [sflag:s28], $0x2000  }
0x50: {  	[sflag:s28] =	ssyncset.done $0x0  }
0x51: {  	[sflag:s28] =	ssyncadd.s32 $0xFFFFE000  }
0x52: {  	s4 =	sadd.s32 s0, s6;
	s0 =	sadd.s32 $0x2000, s0;
	_ =	swait.ge [sflag:s28], $0x2000  }
0x53: {  	p0 =	sne.s32 s0, $0x32000;
	[sflag:s28] =	ssyncset.done $0x0  }
.Ltmp3:
0x54: {  	[sflag:s28] =	ssyncadd.s32 $0xFFFFE000;
	(pc) =	sbr.rel @!p0 .LBB2_5-.Ltmp3, $4  }
0x55: {  	_ =	swait.ge [sflag:s28], $0x2000  }
0x56: {  	[sflag:s28] =	ssyncset.done $0x0  }
0x57: {  	s1 =	sadd.s32 $0x400, s1;
	[sflag:s28] =	ssyncadd.s32 $0xFFFFE000  }
0x58: {  	[hbm4b:s4+s2] =	stream.linear.scatter [tilespmem:s19], [sflag:$0x4], $0x8000, $0x38;
	[tilespmem:$0x16800] =	vst v63  }
.LBB2_2:
0x59: {  	p0 =	seq.s32 s0, $0x0  }
0x5a: {  	s4 =	simm.s32 @!p0 $0x4  }
0x5b: {  	_ =	swait.ge @!p0 [sflag:s4], $0x8000  }
0x5c: {  	[sflag:s4] =	ssyncset.done @!p0 $0x0  }
0x5d: {  	[sflag:s4] =	ssyncadd.s32 @!p0 $0xFFFF8000  }
0x5e: {  	v0 =	vld [tilespmem:s1+$0xFFFFFF00];
	_ =	sdelay $0x4  }
0x5f: {  	[tilespmem:$0x6600] =	vst v0  }
0x60: {  	v0 =	vld [tilespmem:s1+$0xFFFFFF10];
	_ =	sdelay $0x4  }
0x61: {  	[tilespmem:$0x6610] =	vst v0  }
0x62: {  	v0 =	vld [tilespmem:s1+$0xFFFFFF20];
	_ =	sdelay $0x4  }
0x63: {  	[tilespmem:$0x6620] =	vst v0  }
0x64: {  	v0 =	vld [tilespmem:s1+$0xFFFFFF30];
	_ =	sdelay $0x4  }
0x65: {  	[tilespmem:$0x6630] =	vst v0  }
0x66: {  	v0 =	vld [tilespmem:s1+$0xFFFFFF40];
	_ =	sdelay $0x4  }
0x67: {  	[tilespmem:$0x6640] =	vst v0  }
0x68: {  	v0 =	vld [tilespmem:s1+$0xFFFFFF50];
	_ =	sdelay $0x4  }
0x69: {  	[tilespmem:$0x6650] =	vst v0  }
0x6a: {  	v0 =	vld [tilespmem:s1+$0xFFFFFF60];
	_ =	sdelay $0x4  }
0x6b: {  	[tilespmem:$0x6660] =	vst v0  }
0x6c: {  	v0 =	vld [tilespmem:s1+$0xFFFFFF70];
	_ =	sdelay $0x4  }
0x6d: {  	[tilespmem:$0x6670] =	vst v0  }
0x6e: {  	v0 =	vld [tilespmem:s1+$0xFFFFFF80];
	_ =	sdelay $0x4  }
0x6f: {  	[tilespmem:$0x6680] =	vst v0  }
0x70: {  	v0 =	vld [tilespmem:s1+$0xFFFFFF90];
	_ =	sdelay $0x4  }
0x71: {  	[tilespmem:$0x6690] =	vst v0  }
0x72: {  	v0 =	vld [tilespmem:s1+$0xFFFFFFA0];
	_ =	sdelay $0x4  }
0x73: {  	[tilespmem:$0x66A0] =	vst v0  }
0x74: {  	v0 =	vld [tilespmem:s1+$0xFFFFFFB0];
	_ =	sdelay $0x4  }
0x75: {  	[tilespmem:$0x66B0] =	vst v0  }
0x76: {  	v0 =	vld [tilespmem:s1+$0xFFFFFFC0];
	_ =	sdelay $0x4  }
0x77: {  	[tilespmem:$0x66C0] =	vst v0  }
0x78: {  	v0 =	vld [tilespmem:s1+$0xFFFFFFD0];
	_ =	sdelay $0x4  }
0x79: {  	[tilespmem:$0x66D0] =	vst v0  }
0x7a: {  	v0 =	vld [tilespmem:s1+$0xFFFFFFE0];
	_ =	sdelay $0x4  }
0x7b: {  	[tilespmem:$0x66E0] =	vst v0  }
0x7c: {  	v0 =	vld [tilespmem:s1+$0xFFFFFFF0];
	_ =	sdelay $0x4  }
0x7d: {  	[tilespmem:$0x66F0] =	vst v0  }
0x7e: {  	v0 =	vld [tilespmem:s1+$0x0];
	_ =	sdelay $0x4  }
0x7f: {  	[tilespmem:$0x6700] =	vst v0  }
0x80: {  	v0 =	vld [tilespmem:s1+$0x10];
	_ =	sdelay $0x4  }
0x81: {  	[tilespmem:$0x6710] =	vst v0  }
0x82: {  	v0 =	vld [tilespmem:s1+$0x20];
	_ =	sdelay $0x4  }
0x83: {  	[tilespmem:$0x6720] =	vst v0  }
0x84: {  	v0 =	vld [tilespmem:s1+$0x30];
	_ =	sdelay $0x4  }
0x85: {  	[tilespmem:$0x6730] =	vst v0  }
0x86: {  	v0 =	vld [tilespmem:s1+$0x40];
	_ =	sdelay $0x4  }
0x87: {  	[tilespmem:$0x6740] =	vst v0  }
0x88: {  	v0 =	vld [tilespmem:s1+$0x50];
	_ =	sdelay $0x4  }
0x89: {  	[tilespmem:$0x6750] =	vst v0  }
0x8a: {  	v0 =	vld [tilespmem:s1+$0x60];
	_ =	sdelay $0x4  }
0x8b: {  	[tilespmem:$0x6760] =	vst v0  }
0x8c: {  	v0 =	vld [tilespmem:s1+$0x70];
	_ =	sdelay $0x4  }
0x8d: {  	[tilespmem:$0x6770] =	vst v0  }
0x8e: {  	v0 =	vld [tilespmem:s1+$0x80];
	_ =	sdelay $0x4  }
0x8f: {  	[tilespmem:$0x6780] =	vst v0  }
0x90: {  	v0 =	vld [tilespmem:s1+$0x90];
	_ =	sdelay $0x4  }
0x91: {  	[tilespmem:$0x6790] =	vst v0  }
0x92: {  	v0 =	vld [tilespmem:s1+$0xA0];
	_ =	sdelay $0x4  }
0x93: {  	[tilespmem:$0x67A0] =	vst v0  }
0x94: {  	v0 =	vld [tilespmem:s1+$0xB0];
	_ =	sdelay $0x4  }
0x95: {  	[tilespmem:$0x67B0] =	vst v0  }
0x96: {  	v0 =	vld [tilespmem:s1+$0xC0];
	_ =	sdelay $0x4  }
0x97: {  	[tilespmem:$0x67C0] =	vst v0  }
0x98: {  	v0 =	vld [tilespmem:s1+$0xD0];
	_ =	sdelay $0x4  }
0x99: {  	[tilespmem:$0x67D0] =	vst v0  }
0x9a: {  	v0 =	vld [tilespmem:s1+$0xE0];
	_ =	sdelay $0x4  }
0x9b: {  	[tilespmem:$0x67E0] =	vst v0  }
0x9c: {  	v0 =	vld [tilespmem:s1+$0xF0];
	_ =	sdelay $0x4  }
0x9d: {  	[tilespmem:$0x67F0] =	vst v0  }
0x9e: {  	[tilespmem:s19], [sflag:$0x2] =	stream.indirect.gather [hbm4b:s3+s9], $0x40, s18, s9, $0xb8;
	[tilespmem:$0x16800] =	vst v63  }
0x9f: {  	_ = 	snop  }
0xa0: {  	[tilespmem:s21], [sflag:$0x2] =	stream.indirect.gather [hbm4b:s3+s9], $0x40, s20, s9, $0xb8;
	[tilespmem:$0x16800] =	vst v63  }
0xa1: {  	_ = 	snop  }
0xa2: {  	[tilespmem:s23], [sflag:$0x2] =	stream.indirect.gather [hbm4b:s3+s9], $0x40, s22, s9, $0xb8;
	[tilespmem:$0x16800] =	vst v63  }
0xa3: {  	_ = 	snop  }
0xa4: {  	[tilespmem:s25], [sflag:$0x2] =	stream.indirect.gather [hbm4b:s3+s9], $0x40, s24, s9, $0xb8;
	[tilespmem:$0x16800] =	vst v63  }
0xa5: {  	_ =	swait.ge [sflag:s26], $0x2000  }
0xa6: {  	[sflag:s26] =	ssyncset.done $0x0  }
0xa7: {  	[sflag:s26] =	ssyncadd.s32 $0xFFFFE000  }
0xa8: {  	_ =	swait.ge [sflag:s26], $0x2000  }
0xa9: {  	[sflag:s26] =	ssyncset.done $0x0  }
0xaa: {  	[sflag:s26] =	ssyncadd.s32 $0xFFFFE000  }
0xab: {  	_ =	swait.ge [sflag:s26], $0x2000  }
0xac: {  	p0 =	seq.s32 s0, $0x30000;
	[sflag:s26] =	ssyncset.done $0x0  }
.Ltmp4:
0xad: {  	[sflag:s26] =	ssyncadd.s32 $0xFFFFE000;
	(pc) =	sbr.rel @p0 .LBB2_4-.Ltmp4, $4  }
0xae: {  	_ =	swait.ge [sflag:s26], $0x2000  }
0xaf: {  	[sflag:s26] =	ssyncset.done $0x0  }
0xb0: {  	s4 =	sadd.s32 s0, s7;
	[sflag:s26] =	ssyncadd.s32 $0xFFFFE000  }
0xb1: {  	[hbm4b:s4+s2] =	stream.linear.scatter [tilespmem:s11], [sflag:$0x3], $0x8000, $0x38;
	[tilespmem:$0x16800] =	vst v63  }
0xb2: {  	_ =	swait.ge [sflag:s29], $0x8000  }
0xb3: {  	[sflag:s29] =	ssyncset.done $0x0  }
0xb4: {  	[sflag:s29] =	ssyncadd.s32 $0xFFFF8000  }
0xb5: {  	v0 =	vld [tilespmem:s1+$0x100];
	_ =	sdelay $0x4  }
0xb6: {  	[tilespmem:$0x6400] =	vst v0  }
0xb7: {  	v0 =	vld [tilespmem:s1+$0x110];
	_ =	sdelay $0x4  }
0xb8: {  	[tilespmem:$0x6410] =	vst v0  }
0xb9: {  	v0 =	vld [tilespmem:s1+$0x120];
	_ =	sdelay $0x4  }
0xba: {  	[tilespmem:$0x6420] =	vst v0  }
0xbb: {  	v0 =	vld [tilespmem:s1+$0x130];
	_ =	sdelay $0x4  }
0xbc: {  	[tilespmem:$0x6430] =	vst v0  }
0xbd: {  	v0 =	vld [tilespmem:s1+$0x140];
	_ =	sdelay $0x4  }
0xbe: {  	[tilespmem:$0x6440] =	vst v0  }
0xbf: {  	v0 =	vld [tilespmem:s1+$0x150];
	_ =	sdelay $0x4  }
0xc0: {  	[tilespmem:$0x6450] =	vst v0  }
0xc1: {  	v0 =	vld [tilespmem:s1+$0x160];
	_ =	sdelay $0x4  }
0xc2: {  	[tilespmem:$0x6460] =	vst v0  }
0xc3: {  	v0 =	vld [tilespmem:s1+$0x170];
	_ =	sdelay $0x4  }
0xc4: {  	[tilespmem:$0x6470] =	vst v0  }
0xc5: {  	v0 =	vld [tilespmem:s1+$0x180];
	_ =	sdelay $0x4  }
0xc6: {  	[tilespmem:$0x6480] =	vst v0  }
0xc7: {  	v0 =	vld [tilespmem:s1+$0x190];
	_ =	sdelay $0x4  }
0xc8: {  	[tilespmem:$0x6490] =	vst v0  }
0xc9: {  	v0 =	vld [tilespmem:s1+$0x1A0];
	_ =	sdelay $0x4  }
0xca: {  	[tilespmem:$0x64A0] =	vst v0  }
0xcb: {  	v0 =	vld [tilespmem:s1+$0x1B0];
	_ =	sdelay $0x4  }
0xcc: {  	[tilespmem:$0x64B0] =	vst v0  }
0xcd: {  	v0 =	vld [tilespmem:s1+$0x1C0];
	_ =	sdelay $0x4  }
0xce: {  	[tilespmem:$0x64C0] =	vst v0  }
0xcf: {  	v0 =	vld [tilespmem:s1+$0x1D0];
	_ =	sdelay $0x4  }
0xd0: {  	[tilespmem:$0x64D0] =	vst v0  }
0xd1: {  	v0 =	vld [tilespmem:s1+$0x1E0];
	_ =	sdelay $0x4  }
0xd2: {  	[tilespmem:$0x64E0] =	vst v0  }
0xd3: {  	v0 =	vld [tilespmem:s1+$0x1F0];
	_ =	sdelay $0x4  }
0xd4: {  	[tilespmem:$0x64F0] =	vst v0  }
0xd5: {  	v0 =	vld [tilespmem:s1+$0x200];
	_ =	sdelay $0x4  }
0xd6: {  	[tilespmem:$0x6500] =	vst v0  }
0xd7: {  	v0 =	vld [tilespmem:s1+$0x210];
	_ =	sdelay $0x4  }
0xd8: {  	[tilespmem:$0x6510] =	vst v0  }
0xd9: {  	v0 =	vld [tilespmem:s1+$0x220];
	_ =	sdelay $0x4  }
0xda: {  	[tilespmem:$0x6520] =	vst v0  }
0xdb: {  	v0 =	vld [tilespmem:s1+$0x230];
	_ =	sdelay $0x4  }
0xdc: {  	[tilespmem:$0x6530] =	vst v0  }
0xdd: {  	v0 =	vld [tilespmem:s1+$0x240];
	_ =	sdelay $0x4  }
0xde: {  	[tilespmem:$0x6540] =	vst v0  }
0xdf: {  	v0 =	vld [tilespmem:s1+$0x250];
	_ =	sdelay $0x4  }
0xe0: {  	[tilespmem:$0x6550] =	vst v0  }
0xe1: {  	v0 =	vld [tilespmem:s1+$0x260];
	_ =	sdelay $0x4  }
0xe2: {  	[tilespmem:$0x6560] =	vst v0  }
0xe3: {  	v0 =	vld [tilespmem:s1+$0x270];
	_ =	sdelay $0x4  }
0xe4: {  	[tilespmem:$0x6570] =	vst v0  }
0xe5: {  	v0 =	vld [tilespmem:s1+$0x280];
	_ =	sdelay $0x4  }
0xe6: {  	[tilespmem:$0x6580] =	vst v0  }
0xe7: {  	v0 =	vld [tilespmem:s1+$0x290];
	_ =	sdelay $0x4  }
0xe8: {  	[tilespmem:$0x6590] =	vst v0  }
0xe9: {  	v0 =	vld [tilespmem:s1+$0x2A0];
	_ =	sdelay $0x4  }
0xea: {  	[tilespmem:$0x65A0] =	vst v0  }
0xeb: {  	v0 =	vld [tilespmem:s1+$0x2B0];
	_ =	sdelay $0x4  }
0xec: {  	[tilespmem:$0x65B0] =	vst v0  }
0xed: {  	v0 =	vld [tilespmem:s1+$0x2C0];
	_ =	sdelay $0x4  }
0xee: {  	[tilespmem:$0x65C0] =	vst v0  }
0xef: {  	v0 =	vld [tilespmem:s1+$0x2D0];
	_ =	sdelay $0x4  }
0xf0: {  	[tilespmem:$0x65D0] =	vst v0  }
0xf1: {  	v0 =	vld [tilespmem:s1+$0x2E0];
	_ =	sdelay $0x4  }
0xf2: {  	[tilespmem:$0x65E0] =	vst v0  }
0xf3: {  	v0 =	vld [tilespmem:s1+$0x2F0];
	_ =	sdelay $0x4  }
0xf4: {  	[tilespmem:$0x65F0] =	vst v0  }
0xf5: {  	[tilespmem:s11], [sflag:$0x1] =	stream.indirect.gather [hbm4b:s3+s9], $0x40, s10, s9, $0xb8;
	[tilespmem:$0x16800] =	vst v63  }
0xf6: {  	_ = 	snop  }
0xf7: {  	[tilespmem:s13], [sflag:$0x1] =	stream.indirect.gather [hbm4b:s3+s9], $0x40, s12, s9, $0xb8;
	[tilespmem:$0x16800] =	vst v63  }
.Ltmp5:
0xf8: {  	_ = 	snop;
	(pc) =	sbr.rel .LBB2_4-.Ltmp5, $4  }
0xf9: {  	_ = 	snop  }
0xfa: {  	[tilespmem:s15], [sflag:$0x1] =	stream.indirect.gather [hbm4b:s3+s9], $0x40, s14, s9, $0xb8;
	[tilespmem:$0x16800] =	vst v63  }
0xfb: {  	_ = 	snop  }
0xfc: {  	[tilespmem:s17], [sflag:$0x1] =	stream.indirect.gather [hbm4b:s3+s9], $0x40, s16, s9, $0xb8;
	[tilespmem:$0x16800] =	vst v63  }
.LBB2_6:
0xfd: {  	_ =	sfence.sel $0x180000  }
0xfe: {  	[bflag:$0x0] =	sbarrier.arrive $0xFFFF  }
0xff: {  	_ =	strace $0x90000047  }
0x100: {  	s0 =	stileid.u32;
	[bflag:$0x2] =	sbarrier.arrive $0xFFFF  }
0x101: {  	p0 =	sne.s32 s0, $0x0;
	s0 =	rddreg [dreg:$0x2]  }
0x102: {  	s0 =	sadd.s32 @!p0 $0x100000, s0  }
0x103: {  	[sflag:s0] =	ssyncadd.tile.s32 @!p0 $0x1;
	_ =	shalt  }
.Lfunc_end2:
_tile_overlayer_lowered:
.L_overlay_start_2:
0x104: {  	(tag) =	ssettag $0x2  }
0x105: {  	s0 =	rddreg [dreg:$0x0];
	s2 =	stileid.u32  }
0x106: {  	s1 =	rddreg [dreg:$0x1];
	p0 =	sne.s32 s2, $0x0  }
0x107: {  	s3 =	rddreg [dreg:$0x2];
	[bflag:$0x3] =	sbarrier.arrive $0xFFFF;
	s2 =	simm.s32 @!p0 $0x1C05  }
0x108: {  	[timem:s3], [sflag:s2] =	dma.local @!p0 [hbm:s0], s1  }
0x109: {  	s0 =	simm.s32 @!p0 $0x5  }
0x10a: {  	_ =	swait.ge @!p0 [sflag:s0], s1  }
0x10b: {  	s1 =	ssub.s32 @!p0 $0x0, s1;
	[sflag:s0] =	ssyncset.done @!p0 $0x0  }
0x10c: {  	[sflag:s0] =	ssyncadd.s32 @!p0 s1  }
0x10d: {  	[bflag:$0x3] =	sbarrier.arrive $0xFFFF  }
0x10e: {  	_ =	shalt  }

// kernel: sparse-core-data-format-call.cloned.1.call-start
scs
called_computation_lowered:
.L_overlay_start_0:
0x0: {  	s2 =	sld [smem:$0x3FD9]  }
0x1: {  	s3 =	sld [smem:$0x3FFE];
	_ =	sdelay $0x1  }
0x2: {  	s1 =	srdreg.scid  }
0x3: {  	s0 =	sand.u32 $0x1, s1  }
0x4: {  	s18 =	sshll.u32 s0, $0xA;
	s2 =	sadd.s32 s3, s2  }
0x5: {  	s2 =	sadd.s32 s2, s18  }
0x6: {  	[smem:$0x3FC6] =	sst s2  }
0x7: {  	_ = 	snop  }
0x8: {  	s2 =	sld [smem:$0x3FD0];
	(tm) =	ssettm $0x1  }
0x9: {  	s19 =	sld [smem:$0x3FFB];
	_ =	sdelay $0x3  }
0xa: {  	_ =	strace s19  }
0xb: {  	s3 =	sld [smem:$0x3FFC];
	_ =	sdelay $0x3  }
0xc: {  	_ =	strace s3  }
0xd: {  	s3 =	sld [smem:$0x3FFD];
	_ =	sdelay $0x3  }
0xe: {  	_ =	strace s3  }
0xf: {  	_ =	strace $0x8FFFFFFF  }
0x10: {  	s20 =	sld [smem:$0x3FDB];
	_ =	sdelay $0x1  }
0x11: {  	s4 =	simm.s32 $_scs_section_size  }
0x12: {  	s5 =	simm.s32 $_size__tile_overlayer_lowered;
	s6 =	simm.s32 $_tile_overlayer_lowered  }
0x13: {  	s23 =	simm.s32 $0x1BFF;
	s22 =	sshll.u32 s6, $0x1;
	s3 =	sadd.s32 s4, s20  }
0x14: {  	s7 =	simm.s32 $0x0;
	s21 =	sshll.u32 s5, $0x1;
	s5 =	sadd.s32 s22, s3  }
0x15: {  	[timem:s7], [sflag:s23] =	dma.local [hbm:s5], s21  }
0x16: {  	_ =	swait.ge [sflag:s23], s21  }
0x17: {  	s4 =	ssub.s32 $0x0, s21;
	[sflag:s23] =	ssyncset.done $0x0  }
0x18: {  	[sflag:s23] =	ssyncadd.s32 s4;
	_ =	sdelay $0x1  }
0x19: {  	s24 =	simm.s32 $0x1B8B  }
0x1a: {  	_ =	swait.ge [sflag:s24], $0x1  }
0x1b: {  	[sflag:s24] =	ssyncset.done $0x0  }
0x1c: {  	s26 =	simm.s32 $0x1B8E;
	s25 =	sld [smem:$0x3FFE];
	[sflag:s24] =	ssyncadd.s32 $0xFFFFFFFF  }
0x1d: {  	s27 =	simm.s32 $execute0_lowered;
	[smem:$0x3FD2] =	sst s26  }
0x1e: {  	s5 =	sshll.u32 s27, $0x1;
	_ =	strace $0x80000049;
	[dreg:$0x1] =	wrdreg $0xFFFFFFFF  }
0x1f: {  	s28 =	simm.s32 $_size_execute0_lowered;
	s3 =	sadd.s32 s3, s5;
	[dreg:$0x0] =	wrdreg $0x0  }
0x20: {  	s5 =	sshll.u32 s28, $0x1;
	[dreg:$0x2] =	wrdreg s3  }
0x21: {  	[dreg:$0x3] =	wrdreg s5  }
0x22: {  	[dreg:$0x4] =	wrdreg $0xC0  }
0x23: {  	_ =	task [dreg:s7], $0x5FFFF  }
0x24: {  	[dreg:$0x1] =	wrdreg $0xFFFFFFFF  }
0x25: {  	[dreg:$0x0] =	wrdreg $0x60  }
0x26: {  	[dreg:$0x2] =	wrdreg s25  }
0x27: {  	[dreg:$0x3] =	wrdreg s2  }
0x28: {  	[dreg:$0x4] =	wrdreg $0x9  }
0x29: {  	_ =	task.clear_ibuf [dreg:s7], $0x5FFFF;
	_ =	strace $0x90000049  }
0x2a: {  	s29 =	simm.s32 $0x9;
	_ =	strace $0x8000004B  }
0x2b: {  	_ =	swait.ge [sflag:s29], $0x1  }
0x2c: {  	[sflag:s29] =	ssyncadd.s32 $0xFFFFFFFF  }
0x2d: {  	_ =	strace $0x9000004B  }
0x2e: {  	_ =	sfence  }
0x2f: {  	s30 =	sld [smem:$0x0];
	_ =	sdelay $0x2  }
0x30: {  	s31 =	sshll.u32 s1, $0xD;
	s1 =	sshrl.u32 s1, $0x2  }
0x31: {  	s3 =	sand.u32 $0x4000, s31;
	s1 =	sadd.s32 s1, s30  }
0x32: {  	s0 =	sor.u32 s3, s0;
	s1 =	sshll.u32 s1, $0x11  }
0x33: {  	s0 =	sor.u32 s1, s0  }
0x34: {  	s0 =	sadd.s32 $0x8F2B, s0  }
0x35: {  	[sflag:s0] =	ssyncadd.remote.s32 $0x1  }
0x36: {  	_ =	sfence.sel $0xFFFF  }
0x37: {  	[dreg:$0x0] =	wrdreg $0xFFFFFFFF;
	(pc) =	sbr.abs _section_cstart, $3  }
0x38: {  	[dreg:$0x1] =	wrdreg $0xFFFFFFFF  }
0x39: {  	_ =	task.clear_ibuf [dreg:s7], $0x2FFFF;
	_ =	strace $0x9FFFFFFF  }
0x3a: {  	(tm) =	ssettm $0x7FFFFFFF  }
0x3b: {  	_ =	shalt  }
tec
execute0_lowered:
.L_overlay_start_1:
0x0: {  	(tag) =	ssettag $0x1  }
0x1: {  	s0 =	srdreg.scid  }
0x2: {  	s1 =	sshll.u32 s0, $0x4  }
0x3: {  	s0 =	stileid.u32;
	s1 =	sand.u32 $0x10, s1  }
0x4: {  	s1 =	sor.u32 s0, s1  }
0x5: {  	s6 =	rddreg [dreg:$0x0];
	s4 =	simm.s32 $0x1;
	s2 =	sshll.u32 s1, $0x7  }
0x6: {  	s7 =	simm.s32 $0x2;
	s12 =	simm.s32 $0x0;
	s1 =	ssub.s32 $0x4000, s2  }
0x7: {  	s8 =	simm.s32 $0x20000;
	s13 =	simm.s32 $0x0;
	s3 =	sand.u32 $0xF80, s1  }
0x8: {  	s9 =	simm.s32 $0x0;
	s5 =	sshrl.u32 s1, $0xC;
	p0 =	sne.s32 s3, $0x0  }
.Ltmp0:
0x9: {  	s1 =	rddreg [dreg:$0x2];
	s4 =	simm.s32 @!p0 $0x0;
	(pc) =	sbr.rel .LBB1_1-.Ltmp0, $4  }
0xa: {  	s11 =	simm.s32 $0x0;
	s3 =	rddreg [dreg:$0x1];
	s5 =	sadd.s32 s4, s5  }
0xb: {  	_ =	strace $0x8000004A;
	s4 =	simm.s32 $0x1;
	s5 =	smul.u32 $0x32, s5  }
0xc: {  	s6 =	sadd.s32 $0xA00, s6;
	s10 =	smov.u32 s2;
	[sflag:s4] =	ssyncpa.u1 $0x0  }
0xd: {  	p0 =	por $0x0, $0x0;
	[sflag:s7] =	ssyncpa.u1 $0x0;
	s7 =	sor.u32 $0x1, s5  }
.LBB1_4:
0xe: {  	s16 =	sshll.u32 s13, $0x3;
	s17 =	sand.u32 $0x78, s13  }
0xf: {  	s30 =	sand.u32 $0x1F800, s13;
	s12 =	sshll.u32 s12, $0x11;
	s16 =	sand.u32 $0x3C00, s16  }
0x10: {  	[tilespmem:s15+$0x810 ss:$0x81] =	vst.msk $0xffff, v2;
	s31 =	sand.u32 $0x7, s13;
	s16 =	sor.u32 s17, s16;
	s17 =	sadd.s32 s3, s30  }
0x11: {  	[tilespmem:s15+$0x1020 ss:$0x81] =	vst.msk $0xffff, v0;
	s13 =	sshll.u32 s31, $0x12;
	s12 =	sadd.s32 s12, s17;
	s16 =	sshrl.u32 s16, $0x3  }
0x12: {  	[tilespmem:s15+$0x0 ss:$0x81] =	vst.msk $0xffff, v1;
	s13 =	sor.u32 $0x400, s13;
	s12 =	sadd.s32 s16, s12  }
0x13: {  	[hbm4b:s12+s13] =	stream.strided.scatter [tilespmem:s14], [sflag:$0x2], $0x2000, s8, s13, $0x20;
	[tilespmem:$0x8080] =	vst v63  }
.LBB1_5:
0x14: {  	s14 =	sadd.s32 $0x1, s9  }
0x15: {  	s12 =	sadd.s32 $0x1000, s10;
	s16 =	smov.u32 s10;
	p2 =	sgt.s32 s14, $0x31  }
0x16: {  	s16 =	smov.u32 @p2 s12  }
0x17: {  	s14 =	simm.s32 @p2 $0x0;
	p2 =	sgt.s32 s16, $0x3FFF  }
0x18: {  	s16 =	smov.u32 @p2 s2;
	p2 =	sne.s32 s11, s7  }
.Ltmp1:
0x19: {  	p1 =	slt.u32 s11, $0x2;
	(pc) =	sbr.rel @!p2 .LBB1_6-.Ltmp1, $4  }
0x1a: {  	s15 =	simm.s32 @!p1 $0x2  }
0x1b: {  	s13 =	smov.u32 s10;
	p0 =	por !p0, !p0;
	_ =	swait.ge @!p1 [sflag:s15], $0x2000  }
0x1c: {  	s12 =	smov.u32 s9;
	[sflag:s15] =	ssyncset.done @!p1 $0x0;
	s9 =	smov.u32 s14  }
0x1d: {  	s11 =	sadd.s32 $0x1, s11;
	[sflag:s15] =	ssyncadd.s32 @!p1 $0xFFFFE000;
	s10 =	smov.u32 s16  }
.LBB1_1:
0x1e: {  	p1 =	sge.u32 s11, s5  }
0x1f: {  	s14 =	sand.u32 @!p1 $0x1FFFFFF, s9  }
0x20: {  	s15 =	smulhi.u32 @!p1 $0x4924925, s14;
	_ =	sdelay $0x1  }
0x21: {  	s15 =	smul.u32 @!p1 $0x38, s15  }
0x22: {  	s16 =	sxor.u32 @!p1 $0xFFFFFFFF, s11;
	s17 =	smul.u32 @!p1 $0x380, s10  }
0x23: {  	s31 =	sadd.s32 $0xFFFFFFFF, s11;
	s16 =	sshll.u32 @!p1 s16, $0xD;
	s14 =	ssub.s32 @!p1 s14, s15  }
0x24: {  	s15 =	sand.u32 @!p1 $0x2000, s16;
	s16 =	sadd.s32 @!p1 s6, s17;
	s14 =	sshll.u32 @!p1 s14, $0x4  }
0x25: {  	s17 =	simm.s32 @!p1 $0x1C00;
	s14 =	sadd.s32 @!p1 s14, s16;
	s16 =	simm.s32 @!p1 $0x40  }
0x26: {  	[tilespmem:s15], [sflag:$0x1] =	stream.strided.gather @!p1 [hbm4b:s14+s16], $0x2000, s17, s16, $0x38;
	[tilespmem:$0x8080] =	vst v63  }
0x27: {  	p1 =	sge.u32 s31, s5  }
.Ltmp2:
0x28: {  	_ = 	snop;
	(pc) =	sbr.rel @p1 .LBB1_5-.Ltmp2, $1  }
0x29: {  	_ =	sdelay $0x3  }
0x2a: {  	s14 =	simm.s32 $0x1  }
0x2b: {  	_ =	swait.ge [sflag:s4], $0x2000;
	s14 =	simm.s32 @!p0 $0x0  }
0x2c: {  	[sflag:s4] =	ssyncset.done $0x0;
	s15 =	sshll.u32 s14, $0xD  }
0x2d: {  	[sflag:s4] =	ssyncadd.s32 $0xFFFFE000;
	s18 =	sor.u32 $0x20, s15  }
0x2e: {  	s14 =	smul.u32 $0x8100, s14;
	v3 =	vld [tilespmem:s18+$0x10]  }
0x2f: {  	s30 =	sand.u32 $0x1, s11;
	v2 =	vld [tilespmem:s18+$0xFFFFFFF0]  }
0x30: {  	s15 =	smul.u32 $0x8100, s30;
	s14 =	sshrl.u32 s14, $0x2;
	v0 =	vld [tilespmem:s18+$0x0]  }
0x31: {  	v1 =	vld [tilespmem:s18+$0xFFFFFFE0];
	s16 =	sor.u32 $0x4000, s14  }
0x32: {  	s31 =	sshrl.u32 s15, $0x2;
	s15 =	sadd.s32 $0x0, s16  }
0x33: {  	s17 =	simm.s32 $0x4;
	s18 =	sadd.s32 $0x40, s18;
	s14 =	sor.u32 $0x4000, s31;
	[tilespmem:s15+$0x1830 ss:$0x81] =	vst.msk $0xffff, v3  }
.LBB1_3:
0x34: {  	v3 =	vld [tilespmem:s18+$0x10];
	p1 =	sne.s32 s17, $0x1FC;
	[tilespmem:s15+$0x810 ss:$0x81] =	vst.msk $0xffff, v2;
	s19 =	smov.u32 s17;
	s17 =	sadd.s32 $0x4, s17  }
.Ltmp3:
0x35: {  	v2 =	vld [tilespmem:s18+$0xFFFFFFF0];
	[tilespmem:s15+$0x1020 ss:$0x81] =	vst.msk $0xffff, v0;
	(pc) =	sbr.rel @p1 .LBB1_3-.Ltmp3, $4  }
0x36: {  	v0 =	vld [tilespmem:s18+$0x0];
	[tilespmem:s15+$0x0 ss:$0x81] =	vst.msk $0xffff, v1  }
0x37: {  	s15 =	sshra.s32 s19, $0x2;
	v1 =	vld [tilespmem:s18+$0xFFFFFFE0]  }
0x38: {  	s15 =	sadd.s32 s15, s16  }
0x39: {  	s18 =	sadd.s32 $0x40, s18;
	[tilespmem:s15+$0x1830 ss:$0x81] =	vst.msk $0xffff, v3  }
.Ltmp4:
0x3a: {  	_ = 	snop;
	(pc) =	sbr.rel .LBB1_4-.Ltmp4, $1  }
0x3b: {  	_ =	sdelay $0x3  }
.LBB1_6:
0x3c: {  	_ =	sfence.sel $0x180000  }
0x3d: {  	s2 =	simm.s32 $0x1;
	[bflag:$0x0] =	sbarrier.arrive $0xFFFF  }
0x3e: {  	s31 =	simm.s32 $0x2;
	[sflag:s2] =	ssyncpa.u1 $0x1  }
0x3f: {  	[sflag:s31] =	ssyncpa.u1 $0x1  }
0x40: {  	p0 =	sne.s32 s0, $0x0;
	_ =	strace $0x9000004A  }
0x41: {  	s0 =	sadd.s32 @!p0 $0x100000, s1;
	[bflag:$0x2] =	sbarrier.arrive $0xFFFF  }
0x42: {  	[sflag:s0] =	ssyncadd.tile.s32 @!p0 $0x1;
	_ =	shalt  }
.Lfunc_end1:
_tile_overlayer_lowered:
.L_overlay_start_2:
0x43: {  	(tag) =	ssettag $0x2  }
0x44: {  	s0 =	rddreg [dreg:$0x0];
	s2 =	stileid.u32  }
0x45: {  	s1 =	rddreg [dreg:$0x1];
	p0 =	sne.s32 s2, $0x0  }
0x46: {  	s3 =	rddreg [dreg:$0x2];
	[bflag:$0x3] =	sbarrier.arrive $0xFFFF;
	s2 =	simm.s32 @!p0 $0x1C01  }
0x47: {  	[timem:s3], [sflag:s2] =	dma.local @!p0 [hbm:s0], s1  }
0x48: {  	s0 =	simm.s32 @!p0 $0x1  }
0x49: {  	_ =	swait.ge @!p0 [sflag:s0], s1  }
0x4a: {  	s1 =	ssub.s32 @!p0 $0x0, s1;
	[sflag:s0] =	ssyncset.done @!p0 $0x0  }
0x4b: {  	[sflag:s0] =	ssyncadd.s32 @!p0 s1  }
0x4c: {  	[bflag:$0x3] =	sbarrier.arrive $0xFFFF  }
0x4d: {  	_ =	shalt  }

</sc_bundles>
